<compile_context>
chip_gen: v7x
topology: tpu7x:2x2x1
jax: 0.10.2.dev20260603
libtpu: 0.0.44.dev20260713+nightly
codegen_flags: <defaults>
</compile_context>

<pallas_src>
import functools

import jax
import jax.numpy as jnp
from jax import lax
from jax.experimental import pallas as pl
from jax.experimental.pallas import tpu as pltpu
from jax.experimental.pallas import tpu_sc as plsc

B, S, D = 4, 4096, 4096
T = 8192
NC, NS = 2, 16
NW = NC * NS
CR, CC = 8, 1024
DG = D // CC
NCHT = (S // CR) * DG
NCH = NCHT // NW
RING = 3

_mesh = plsc.VectorSubcoreMesh(core_axis_name="c", subcore_axis_name="s")


@functools.partial(
    pl.kernel,
    out_type=jax.ShapeDtypeStruct((B, S, D), jnp.float32),
    mesh=_mesh,
    scratch_types=[
        pltpu.VMEM((RING, B, CR, CC), jnp.float32),
        pltpu.VMEM((RING, CR, CC), jnp.float32),
        pltpu.SemaphoreType.DMA((RING,)),
        pltpu.SemaphoreType.DMA((RING,)),
        pltpu.SemaphoreType.DMA((RING,)),
    ],
    compiler_params=pltpu.CompilerParams(use_tc_tiling_on_sc=True),
)
def _sc_add(x_hbm, pe_hbm, out_hbm, xb, pb, sx, sp, so):
    wid = lax.axis_index("s") * NC + lax.axis_index("c")
    c0 = wid * NCH

    def _chunk(g):
        c = (c0 + g) & (NCHT - 1)
        s0 = (c // DG) * CR
        d0 = (c % DG) * CC
        return s0, d0

    def fire_in(g, s):
        s0, d0 = _chunk(g)
        pltpu.async_copy(
            pe_hbm.at[pl.ds(s0, CR), pl.ds(d0, CC)], pb.at[s], sp.at[s]
        )
        for b in range(B):
            pltpu.async_copy(
                x_hbm.at[b, pl.ds(s0, CR), pl.ds(d0, CC)], xb.at[s, b], sx.at[s]
            )

    def wait_in(g, s):
        s0, d0 = _chunk(g)
        pltpu.make_async_copy(
            pe_hbm.at[pl.ds(s0, CR), pl.ds(d0, CC)], pb.at[s], sp.at[s]
        ).wait()
        for b in range(B):
            pltpu.make_async_copy(
                x_hbm.at[b, pl.ds(s0, CR), pl.ds(d0, CC)], xb.at[s, b], sx.at[s]
            ).wait()

    def fire_out(g, s):
        s0, d0 = _chunk(g)
        for b in range(B):
            pltpu.async_copy(
                xb.at[s, b], out_hbm.at[b, pl.ds(s0, CR), pl.ds(d0, CC)], so.at[s]
            )

    def wait_out(g, s):
        s0, d0 = _chunk(g)
        for b in range(B):
            pltpu.make_async_copy(
                xb.at[s, b], out_hbm.at[b, pl.ds(s0, CR), pl.ds(d0, CC)], so.at[s]
            ).wait()

    fire_in(0, 0)
    fire_in(1, 1)

    def body(g, carry):
        s = lax.rem(g, RING)
        wait_in(g, s)

        @plsc.parallel_loop(0, CR * CC, step=16, unroll=4)
        def add16(i):
            r = i >> 10
            col = pl.multiple_of(i & (CC - 1), 16)
            sl = pl.ds(col, 16)
            v = pb[s, r, sl]
            for b in range(B):
                plsc.addupdate(xb.at[s].at[b].at[r].at[sl], v)

        fire_out(g, s)
        sn = lax.rem(g + 2, RING)

        @pl.when(g >= 1)
        def _():
            wait_out(g - 1, sn)

        fire_in(g + 2, sn)
        return carry

    lax.fori_loop(0, NCH, body, None)

    wait_out(NCH - 1, (NCH - 1) % RING)
    for g in (NCH, NCH + 1):
        wait_in(g, g % RING)


def kernel(x, pos_emb_weight):
    return _sc_add(x, pos_emb_weight)

# --- scband reference (transcript-rebuilt; emitter-appended) ---
"""Pipeline reference for scband-gpt2-position-embedding-42949673729 (READ-ONLY COPY).

The authoritative reference and input builder live on the scoring server;
editing this copy changes nothing except your own understanding.
"""

import jax, jax.numpy as jnp
import numpy as np

SEQ_MAX_LEN = 8192
D_MODEL = 4096
BATCH = 4
SEQ_LEN = 4096


def setup_inputs(seed: int = 0) -> dict:
    key = jax.random.key(seed)
    k_x, k_w = jax.random.split(key)
    x = jax.random.normal(k_x, (BATCH, SEQ_LEN, D_MODEL), dtype=jnp.float32)
    # nn.Embedding weight initialized with normal(std=0.02)
    pos_emb_weight = jax.random.normal(k_w, (SEQ_MAX_LEN, D_MODEL), dtype=jnp.float32) * 0.02
    return {"x": x, "pos_emb_weight": pos_emb_weight}


def reference(x, pos_emb_weight):
    batch_size, seq_len, d_model = x.shape
    pos = jnp.arange(seq_len)
    pos_emb = jnp.take(pos_emb_weight, pos, axis=0)  # [S, d_model]
    pos_emb = pos_emb[None, :, :]  # [1, S, d_model]
    return x + pos_emb

if __name__ == "__main__":
    import jax
    _d = setup_inputs()
    print(jax.jit(kernel)(*tuple(_d.values())))

</pallas_src>

<mosaic_0001>
#map = affine_map<(d0, d1) -> (0, 0, 0)>
#map1 = affine_map<(d0, d1) -> (0, 0)>
module attributes {stable_mosaic.version = 14 : i64} {
  func.func @_sc_add(%arg0: i32, %arg1: i32, %arg2: memref<4x4096x4096xf32, #tpu.memory_space<hbm>>, %arg3: memref<8192x4096xf32, #tpu.memory_space<hbm>>, %arg4: memref<4x4096x4096xf32, #tpu.memory_space<hbm>>, %arg5: memref<3x4x8x1024xf32, #tpu.memory_space<vmem>>, %arg6: memref<3x8x1024xf32, #tpu.memory_space<vmem>>, %arg7: memref<3x!tpu.dma_semaphore, #tpu.memory_space<semaphore_mem>>, %arg8: memref<3x!tpu.dma_semaphore, #tpu.memory_space<semaphore_mem>>, %arg9: memref<3x!tpu.dma_semaphore, #tpu.memory_space<semaphore_mem>>) attributes {dimension_semantics = [#tpu.dimension_semantics<core_parallel>, #tpu.dimension_semantics<subcore_parallel>], iteration_bounds = array<i64: 2, 16>, scalar_prefetch = 0 : i64, scratch_operands = 5 : i64, tpu.core_type = #tpu.core_type<sc_vector_subcore>, window_params = [{transform_indices = #map}, {transform_indices = #map1}, {transform_indices = #map}]} {
    %mul3A = arith.constant 2 : i32
    %mul3A_0 = arith.muli %arg1, %mul3A : i32
    %add3A = arith.addi %mul3A_0, %arg0 : i32
    %mul3A_1 = arith.constant 64 : i32
    %mul3A_2 = arith.muli %add3A, %mul3A_1 : i32
    %add3A_3 = arith.constant 0 : i32
    %add3A_4 = arith.addi %mul3A_2, %add3A_3 : i32
    %and3A = arith.constant 2047 : i32
    %and3A_5 = arith.andi %add3A_4, %and3A : i32
    %jit3A = arith.constant 4 : i32
    %div3A = arith.divsi %and3A_5, %jit3A : i32
    %sign3A = arith.constant 0 : i32
    %sign3A_6 = arith.cmpi sgt, %and3A_5, %sign3A : i32
    %sign3A_7 = arith.extui %sign3A_6 : i1 to i32
    %sign3A_8 = arith.constant 0 : i32
    %sign3A_9 = arith.cmpi slt, %and3A_5, %sign3A_8 : i32
    %sign3A_10 = arith.extui %sign3A_9 : i1 to i32
    %sign3A_11 = arith.subi %sign3A_7, %sign3A_10 : i32
    %sign3A_12 = arith.constant 0 : i32
    %sign3A_13 = arith.cmpi sgt, %jit3A, %sign3A_12 : i32
    %sign3A_14 = arith.extui %sign3A_13 : i1 to i32
    %sign3A_15 = arith.constant 0 : i32
    %sign3A_16 = arith.cmpi slt, %jit3A, %sign3A_15 : i32
    %sign3A_17 = arith.extui %sign3A_16 : i1 to i32
    %sign3A_18 = arith.subi %sign3A_14, %sign3A_17 : i32
    %ne3A = arith.cmpi ne, %sign3A_11, %sign3A_18 : i32
    %rem3A = arith.remsi %and3A_5, %jit3A : i32
    %ne3A_19 = arith.constant 0 : i32
    %ne3A_20 = arith.cmpi ne, %rem3A, %ne3A_19 : i32
    %and3A_21 = arith.andi %ne3A, %ne3A_20 : i1
    %sub3A = arith.constant 1 : i32
    %sub3A_22 = arith.subi %div3A, %sub3A : i32
    %select_n3A = arith.select %and3A_21, %sub3A_22, %div3A : i32
    %mul3A_23 = arith.constant 8 : i32
    %mul3A_24 = arith.muli %select_n3A, %mul3A_23 : i32
    %jit3A_25 = arith.constant 4 : i32
    %eq3A = arith.constant 0 : i32
    %eq3A_26 = arith.cmpi eq, %jit3A_25, %eq3A : i32
    %jit3A_27 = arith.constant 1 : i32
    %select_n3A_28 = arith.select %eq3A_26, %jit3A_27, %jit3A_25 : i32
    %rem3A_29 = arith.remsi %and3A_5, %select_n3A_28 : i32
    %ne3A_30 = arith.constant 0 : i32
    %ne3A_31 = arith.cmpi ne, %rem3A_29, %ne3A_30 : i32
    %lt3A = arith.constant 0 : i32
    %lt3A_32 = arith.cmpi slt, %rem3A_29, %lt3A : i32
    %lt3A_33 = arith.constant 0 : i32
    %lt3A_34 = arith.cmpi slt, %select_n3A_28, %lt3A_33 : i32
    %ne3A_35 = arith.xori %lt3A_32, %lt3A_34 : i1
    %and3A_36 = arith.andi %ne3A_35, %ne3A_31 : i1
    %add3A_37 = arith.addi %rem3A_29, %select_n3A_28 : i32
    %select_n3A_38 = arith.select %and3A_36, %add3A_37, %rem3A_29 : i32
    %mul3A_39 = arith.constant 1024 : i32
    %mul3A_40 = arith.muli %select_n3A_38, %mul3A_39 : i32
    %dma_start3A = arith.constant 0 : i32
    %dma_start3A_41 = arith.constant 0 : i32
    %dma_start3A_42 = arith.constant 0 : i32
    %dma_start3A_43 = arith.constant 0 : i32
    %dma_start3A_44 = tpu.memref_slice %arg6[%dma_start3A, %dma_start3A_42, %dma_start3A_43] : memref<3x8x1024xf32, #tpu.memory_space<vmem>> -> memref<1x8x1024xf32, #tpu.memory_space<vmem>>
    %dma_start3A_45 = tpu.memref_squeeze %dma_start3A_44 : memref<1x8x1024xf32, #tpu.memory_space<vmem>> -> memref<8x1024xf32, #tpu.memory_space<vmem>>
    %dma_start3A_46 = tpu.memref_slice %arg3[%mul3A_24, %mul3A_40] : memref<8192x4096xf32, #tpu.memory_space<hbm>> -> memref<8x1024xf32, #tpu.memory_space<hbm>>
    %dma_start3A_47 = tpu.memref_slice %arg8[%dma_start3A_41] : memref<3x!tpu.dma_semaphore, #tpu.memory_space<semaphore_mem>> -> memref<1x!tpu.dma_semaphore, #tpu.memory_space<semaphore_mem>>
    %dma_start3A_48 = tpu.memref_squeeze %dma_start3A_47 : memref<1x!tpu.dma_semaphore, #tpu.memory_space<semaphore_mem>> -> memref<!tpu.dma_semaphore, #tpu.memory_space<semaphore_mem>>
    %dma_start3A_49 = arith.constant 0 : i32
    %dma_start3A_50 = arith.constant 0 : i32
    %dma_start3A_51 = tpu.memref_slice %arg6[%dma_start3A, %dma_start3A_49, %dma_start3A_50] : memref<3x8x1024xf32, #tpu.memory_space<vmem>> -> memref<1x8x1024xf32, #tpu.memory_space<vmem>>
    %dma_start3A_52 = tpu.memref_squeeze %dma_start3A_51 : memref<1x8x1024xf32, #tpu.memory_space<vmem>> -> memref<8x1024xf32, #tpu.memory_space<vmem>>
    %dma_start3A_53 = tpu.memref_slice %arg3[%mul3A_24, %mul3A_40] : memref<8192x4096xf32, #tpu.memory_space<hbm>> -> memref<8x1024xf32, #tpu.memory_space<hbm>>
    tpu.enqueue_dma source(%dma_start3A_53 : memref<8x1024xf32, #tpu.memory_space<hbm>>) target(%dma_start3A_52 : memref<8x1024xf32, #tpu.memory_space<vmem>>) target_semaphore(%dma_start3A_48 : memref<!tpu.dma_semaphore, #tpu.memory_space<semaphore_mem>>)
    %dma_start3A_54 = arith.constant 0 : i32
    %dma_start3A_55 = arith.constant 0 : i32
    %dma_start3A_56 = arith.constant 0 : i32
    %dma_start3A_57 = arith.constant 0 : i32
    %dma_start3A_58 = arith.constant 0 : i32
    %dma_start3A_59 = arith.constant 0 : i32
    %dma_start3A_60 = tpu.memref_slice %arg5[%dma_start3A_55, %dma_start3A_56, %dma_start3A_58, %dma_start3A_59] : memref<3x4x8x1024xf32, #tpu.memory_space<vmem>> -> memref<1x1x8x1024xf32, #tpu.memory_space<vmem>>
    %dma_start3A_61 = tpu.memref_squeeze %dma_start3A_60 : memref<1x1x8x1024xf32, #tpu.memory_space<vmem>> -> memref<8x1024xf32, #tpu.memory_space<vmem>>
    %dma_start3A_62 = tpu.memref_slice %arg2[%dma_start3A_54, %mul3A_24, %mul3A_40] : memref<4x4096x4096xf32, #tpu.memory_space<hbm>> -> memref<1x8x1024xf32, #tpu.memory_space<hbm>>
    %dma_start3A_63 = tpu.memref_squeeze %dma_start3A_62 : memref<1x8x1024xf32, #tpu.memory_space<hbm>> -> memref<8x1024xf32, #tpu.memory_space<hbm>>
    %dma_start3A_64 = tpu.memref_slice %arg7[%dma_start3A_57] : memref<3x!tpu.dma_semaphore, #tpu.memory_space<semaphore_mem>> -> memref<1x!tpu.dma_semaphore, #tpu.memory_space<semaphore_mem>>
    %dma_start3A_65 = tpu.memref_squeeze %dma_start3A_64 : memref<1x!tpu.dma_semaphore, #tpu.memory_space<semaphore_mem>> -> memref<!tpu.dma_semaphore, #tpu.memory_space<semaphore_mem>>
    %dma_start3A_66 = arith.constant 0 : i32
    %dma_start3A_67 = arith.constant 0 : i32
    %dma_start3A_68 = tpu.memref_slice %arg5[%dma_start3A_55, %dma_start3A_56, %dma_start3A_66, %dma_start3A_67] : memref<3x4x8x1024xf32, #tpu.memory_space<vmem>> -> memref<1x1x8x1024xf32, #tpu.memory_space<vmem>>
    %dma_start3A_69 = tpu.memref_squeeze %dma_start3A_68 : memref<1x1x8x1024xf32, #tpu.memory_space<vmem>> -> memref<8x1024xf32, #tpu.memory_space<vmem>>
    %dma_start3A_70 = tpu.memref_slice %arg2[%dma_start3A_54, %mul3A_24, %mul3A_40] : memref<4x4096x4096xf32, #tpu.memory_space<hbm>> -> memref<1x8x1024xf32, #tpu.memory_space<hbm>>
    %dma_start3A_71 = tpu.memref_squeeze %dma_start3A_70 : memref<1x8x1024xf32, #tpu.memory_space<hbm>> -> memref<8x1024xf32, #tpu.memory_space<hbm>>
    tpu.enqueue_dma source(%dma_start3A_71 : memref<8x1024xf32, #tpu.memory_space<hbm>>) target(%dma_start3A_69 : memref<8x1024xf32, #tpu.memory_space<vmem>>) target_semaphore(%dma_start3A_65 : memref<!tpu.dma_semaphore, #tpu.memory_space<semaphore_mem>>)
    %dma_start3A_72 = arith.constant 1 : i32
    %dma_start3A_73 = arith.constant 0 : i32
    %dma_start3A_74 = arith.constant 1 : i32
    %dma_start3A_75 = arith.constant 0 : i32
    %dma_start3A_76 = arith.constant 0 : i32
    %dma_start3A_77 = arith.constant 0 : i32
    %dma_start3A_78 = tpu.memref_slice %arg5[%dma_start3A_73, %dma_start3A_74, %dma_start3A_76, %dma_start3A_77] : memref<3x4x8x1024xf32, #tpu.memory_space<vmem>> -> memref<1x1x8x1024xf32, #tpu.memory_space<vmem>>
    %dma_start3A_79 = tpu.memref_squeeze %dma_start3A_78 : memref<1x1x8x1024xf32, #tpu.memory_space<vmem>> -> memref<8x1024xf32, #tpu.memory_space<vmem>>
    %dma_start3A_80 = tpu.memref_slice %arg2[%dma_start3A_72, %mul3A_24, %mul3A_40] : memref<4x4096x4096xf32, #tpu.memory_space<hbm>> -> memref<1x8x1024xf32, #tpu.memory_space<hbm>>
    %dma_start3A_81 = tpu.memref_squeeze %dma_start3A_80 : memref<1x8x1024xf32, #tpu.memory_space<hbm>> -> memref<8x1024xf32, #tpu.memory_space<hbm>>
    %dma_start3A_82 = tpu.memref_slice %arg7[%dma_start3A_75] : memref<3x!tpu.dma_semaphore, #tpu.memory_space<semaphore_mem>> -> memref<1x!tpu.dma_semaphore, #tpu.memory_space<semaphore_mem>>
    %dma_start3A_83 = tpu.memref_squeeze %dma_start3A_82 : memref<1x!tpu.dma_semaphore, #tpu.memory_space<semaphore_mem>> -> memref<!tpu.dma_semaphore, #tpu.memory_space<semaphore_mem>>
    %dma_start3A_84 = arith.constant 0 : i32
    %dma_start3A_85 = arith.constant 0 : i32
    %dma_start3A_86 = tpu.memref_slice %arg5[%dma_start3A_73, %dma_start3A_74, %dma_start3A_84, %dma_start3A_85] : memref<3x4x8x1024xf32, #tpu.memory_space<vmem>> -> memref<1x1x8x1024xf32, #tpu.memory_space<vmem>>
    %dma_start3A_87 = tpu.memref_squeeze %dma_start3A_86 : memref<1x1x8x1024xf32, #tpu.memory_space<vmem>> -> memref<8x1024xf32, #tpu.memory_space<vmem>>
    %dma_start3A_88 = tpu.memref_slice %arg2[%dma_start3A_72, %mul3A_24, %mul3A_40] : memref<4x4096x4096xf32, #tpu.memory_space<hbm>> -> memref<1x8x1024xf32, #tpu.memory_space<hbm>>
    %dma_start3A_89 = tpu.memref_squeeze %dma_start3A_88 : memref<1x8x1024xf32, #tpu.memory_space<hbm>> -> memref<8x1024xf32, #tpu.memory_space<hbm>>
    tpu.enqueue_dma source(%dma_start3A_89 : memref<8x1024xf32, #tpu.memory_space<hbm>>) target(%dma_start3A_87 : memref<8x1024xf32, #tpu.memory_space<vmem>>) target_semaphore(%dma_start3A_83 : memref<!tpu.dma_semaphore, #tpu.memory_space<semaphore_mem>>)
    %dma_start3A_90 = arith.constant 2 : i32
    %dma_start3A_91 = arith.constant 0 : i32
    %dma_start3A_92 = arith.constant 2 : i32
    %dma_start3A_93 = arith.constant 0 : i32
    %dma_start3A_94 = arith.constant 0 : i32
    %dma_start3A_95 = arith.constant 0 : i32
    %dma_start3A_96 = tpu.memref_slice %arg5[%dma_start3A_91, %dma_start3A_92, %dma_start3A_94, %dma_start3A_95] : memref<3x4x8x1024xf32, #tpu.memory_space<vmem>> -> memref<1x1x8x1024xf32, #tpu.memory_space<vmem>>
    %dma_start3A_97 = tpu.memref_squeeze %dma_start3A_96 : memref<1x1x8x1024xf32, #tpu.memory_space<vmem>> -> memref<8x1024xf32, #tpu.memory_space<vmem>>
    %dma_start3A_98 = tpu.memref_slice %arg2[%dma_start3A_90, %mul3A_24, %mul3A_40] : memref<4x4096x4096xf32, #tpu.memory_space<hbm>> -> memref<1x8x1024xf32, #tpu.memory_space<hbm>>
    %dma_start3A_99 = tpu.memref_squeeze %dma_start3A_98 : memref<1x8x1024xf32, #tpu.memory_space<hbm>> -> memref<8x1024xf32, #tpu.memory_space<hbm>>
    %dma_start3A_100 = tpu.memref_slice %arg7[%dma_start3A_93] : memref<3x!tpu.dma_semaphore, #tpu.memory_space<semaphore_mem>> -> memref<1x!tpu.dma_semaphore, #tpu.memory_space<semaphore_mem>>
    %dma_start3A_101 = tpu.memref_squeeze %dma_start3A_100 : memref<1x!tpu.dma_semaphore, #tpu.memory_space<semaphore_mem>> -> memref<!tpu.dma_semaphore, #tpu.memory_space<semaphore_mem>>
    %dma_start3A_102 = arith.constant 0 : i32
    %dma_start3A_103 = arith.constant 0 : i32
    %dma_start3A_104 = tpu.memref_slice %arg5[%dma_start3A_91, %dma_start3A_92, %dma_start3A_102, %dma_start3A_103] : memref<3x4x8x1024xf32, #tpu.memory_space<vmem>> -> memref<1x1x8x1024xf32, #tpu.memory_space<vmem>>
    %dma_start3A_105 = tpu.memref_squeeze %dma_start3A_104 : memref<1x1x8x1024xf32, #tpu.memory_space<vmem>> -> memref<8x1024xf32, #tpu.memory_space<vmem>>
    %dma_start3A_106 = tpu.memref_slice %arg2[%dma_start3A_90, %mul3A_24, %mul3A_40] : memref<4x4096x4096xf32, #tpu.memory_space<hbm>> -> memref<1x8x1024xf32, #tpu.memory_space<hbm>>
    %dma_start3A_107 = tpu.memref_squeeze %dma_start3A_106 : memref<1x8x1024xf32, #tpu.memory_space<hbm>> -> memref<8x1024xf32, #tpu.memory_space<hbm>>
    tpu.enqueue_dma source(%dma_start3A_107 : memref<8x1024xf32, #tpu.memory_space<hbm>>) target(%dma_start3A_105 : memref<8x1024xf32, #tpu.memory_space<vmem>>) target_semaphore(%dma_start3A_101 : memref<!tpu.dma_semaphore, #tpu.memory_space<semaphore_mem>>)
    %dma_start3A_108 = arith.constant 3 : i32
    %dma_start3A_109 = arith.constant 0 : i32
    %dma_start3A_110 = arith.constant 3 : i32
    %dma_start3A_111 = arith.constant 0 : i32
    %dma_start3A_112 = arith.constant 0 : i32
    %dma_start3A_113 = arith.constant 0 : i32
    %dma_start3A_114 = tpu.memref_slice %arg5[%dma_start3A_109, %dma_start3A_110, %dma_start3A_112, %dma_start3A_113] : memref<3x4x8x1024xf32, #tpu.memory_space<vmem>> -> memref<1x1x8x1024xf32, #tpu.memory_space<vmem>>
    %dma_start3A_115 = tpu.memref_squeeze %dma_start3A_114 : memref<1x1x8x1024xf32, #tpu.memory_space<vmem>> -> memref<8x1024xf32, #tpu.memory_space<vmem>>
    %dma_start3A_116 = tpu.memref_slice %arg2[%dma_start3A_108, %mul3A_24, %mul3A_40] : memref<4x4096x4096xf32, #tpu.memory_space<hbm>> -> memref<1x8x1024xf32, #tpu.memory_space<hbm>>
    %dma_start3A_117 = tpu.memref_squeeze %dma_start3A_116 : memref<1x8x1024xf32, #tpu.memory_space<hbm>> -> memref<8x1024xf32, #tpu.memory_space<hbm>>
    %dma_start3A_118 = tpu.memref_slice %arg7[%dma_start3A_111] : memref<3x!tpu.dma_semaphore, #tpu.memory_space<semaphore_mem>> -> memref<1x!tpu.dma_semaphore, #tpu.memory_space<semaphore_mem>>
    %dma_start3A_119 = tpu.memref_squeeze %dma_start3A_118 : memref<1x!tpu.dma_semaphore, #tpu.memory_space<semaphore_mem>> -> memref<!tpu.dma_semaphore, #tpu.memory_space<semaphore_mem>>
    %dma_start3A_120 = arith.constant 0 : i32
    %dma_start3A_121 = arith.constant 0 : i32
    %dma_start3A_122 = tpu.memref_slice %arg5[%dma_start3A_109, %dma_start3A_110, %dma_start3A_120, %dma_start3A_121] : memref<3x4x8x1024xf32, #tpu.memory_space<vmem>> -> memref<1x1x8x1024xf32, #tpu.memory_space<vmem>>
    %dma_start3A_123 = tpu.memref_squeeze %dma_start3A_122 : memref<1x1x8x1024xf32, #tpu.memory_space<vmem>> -> memref<8x1024xf32, #tpu.memory_space<vmem>>
    %dma_start3A_124 = tpu.memref_slice %arg2[%dma_start3A_108, %mul3A_24, %mul3A_40] : memref<4x4096x4096xf32, #tpu.memory_space<hbm>> -> memref<1x8x1024xf32, #tpu.memory_space<hbm>>
    %dma_start3A_125 = tpu.memref_squeeze %dma_start3A_124 : memref<1x8x1024xf32, #tpu.memory_space<hbm>> -> memref<8x1024xf32, #tpu.memory_space<hbm>>
    tpu.enqueue_dma source(%dma_start3A_125 : memref<8x1024xf32, #tpu.memory_space<hbm>>) target(%dma_start3A_123 : memref<8x1024xf32, #tpu.memory_space<vmem>>) target_semaphore(%dma_start3A_119 : memref<!tpu.dma_semaphore, #tpu.memory_space<semaphore_mem>>)
    %add3A_126 = arith.constant 1 : i32
    %add3A_127 = arith.addi %mul3A_2, %add3A_126 : i32
    %and3A_128 = arith.constant 2047 : i32
    %and3A_129 = arith.andi %add3A_127, %and3A_128 : i32
    %jit3A_130 = arith.constant 4 : i32
    %div3A_131 = arith.divsi %and3A_129, %jit3A_130 : i32
    %sign3A_132 = arith.constant 0 : i32
    %sign3A_133 = arith.cmpi sgt, %and3A_129, %sign3A_132 : i32
    %sign3A_134 = arith.extui %sign3A_133 : i1 to i32
    %sign3A_135 = arith.constant 0 : i32
    %sign3A_136 = arith.cmpi slt, %and3A_129, %sign3A_135 : i32
    %sign3A_137 = arith.extui %sign3A_136 : i1 to i32
    %sign3A_138 = arith.subi %sign3A_134, %sign3A_137 : i32
    %sign3A_139 = arith.constant 0 : i32
    %sign3A_140 = arith.cmpi sgt, %jit3A_130, %sign3A_139 : i32
    %sign3A_141 = arith.extui %sign3A_140 : i1 to i32
    %sign3A_142 = arith.constant 0 : i32
    %sign3A_143 = arith.cmpi slt, %jit3A_130, %sign3A_142 : i32
    %sign3A_144 = arith.extui %sign3A_143 : i1 to i32
    %sign3A_145 = arith.subi %sign3A_141, %sign3A_144 : i32
    %ne3A_146 = arith.cmpi ne, %sign3A_138, %sign3A_145 : i32
    %rem3A_147 = arith.remsi %and3A_129, %jit3A_130 : i32
    %ne3A_148 = arith.constant 0 : i32
    %ne3A_149 = arith.cmpi ne, %rem3A_147, %ne3A_148 : i32
    %and3A_150 = arith.andi %ne3A_146, %ne3A_149 : i1
    %sub3A_151 = arith.constant 1 : i32
    %sub3A_152 = arith.subi %div3A_131, %sub3A_151 : i32
    %select_n3A_153 = arith.select %and3A_150, %sub3A_152, %div3A_131 : i32
    %mul3A_154 = arith.constant 8 : i32
    %mul3A_155 = arith.muli %select_n3A_153, %mul3A_154 : i32
    %jit3A_156 = arith.constant 4 : i32
    %eq3A_157 = arith.constant 0 : i32
    %eq3A_158 = arith.cmpi eq, %jit3A_156, %eq3A_157 : i32
    %jit3A_159 = arith.constant 1 : i32
    %select_n3A_160 = arith.select %eq3A_158, %jit3A_159, %jit3A_156 : i32
    %rem3A_161 = arith.remsi %and3A_129, %select_n3A_160 : i32
    %ne3A_162 = arith.constant 0 : i32
    %ne3A_163 = arith.cmpi ne, %rem3A_161, %ne3A_162 : i32
    %lt3A_164 = arith.constant 0 : i32
    %lt3A_165 = arith.cmpi slt, %rem3A_161, %lt3A_164 : i32
    %lt3A_166 = arith.constant 0 : i32
    %lt3A_167 = arith.cmpi slt, %select_n3A_160, %lt3A_166 : i32
    %ne3A_168 = arith.xori %lt3A_165, %lt3A_167 : i1
    %and3A_169 = arith.andi %ne3A_168, %ne3A_163 : i1
    %add3A_170 = arith.addi %rem3A_161, %select_n3A_160 : i32
    %select_n3A_171 = arith.select %and3A_169, %add3A_170, %rem3A_161 : i32
    %mul3A_172 = arith.constant 1024 : i32
    %mul3A_173 = arith.muli %select_n3A_171, %mul3A_172 : i32
    %dma_start3A_174 = arith.constant 1 : i32
    %dma_start3A_175 = arith.constant 1 : i32
    %dma_start3A_176 = arith.constant 0 : i32
    %dma_start3A_177 = arith.constant 0 : i32
    %dma_start3A_178 = tpu.memref_slice %arg6[%dma_start3A_174, %dma_start3A_176, %dma_start3A_177] : memref<3x8x1024xf32, #tpu.memory_space<vmem>> -> memref<1x8x1024xf32, #tpu.memory_space<vmem>>
    %dma_start3A_179 = tpu.memref_squeeze %dma_start3A_178 : memref<1x8x1024xf32, #tpu.memory_space<vmem>> -> memref<8x1024xf32, #tpu.memory_space<vmem>>
    %dma_start3A_180 = tpu.memref_slice %arg3[%mul3A_155, %mul3A_173] : memref<8192x4096xf32, #tpu.memory_space<hbm>> -> memref<8x1024xf32, #tpu.memory_space<hbm>>
    %dma_start3A_181 = tpu.memref_slice %arg8[%dma_start3A_175] : memref<3x!tpu.dma_semaphore, #tpu.memory_space<semaphore_mem>> -> memref<1x!tpu.dma_semaphore, #tpu.memory_space<semaphore_mem>>
    %dma_start3A_182 = tpu.memref_squeeze %dma_start3A_181 : memref<1x!tpu.dma_semaphore, #tpu.memory_space<semaphore_mem>> -> memref<!tpu.dma_semaphore, #tpu.memory_space<semaphore_mem>>
    %dma_start3A_183 = arith.constant 0 : i32
    %dma_start3A_184 = arith.constant 0 : i32
    %dma_start3A_185 = tpu.memref_slice %arg6[%dma_start3A_174, %dma_start3A_183, %dma_start3A_184] : memref<3x8x1024xf32, #tpu.memory_space<vmem>> -> memref<1x8x1024xf32, #tpu.memory_space<vmem>>
    %dma_start3A_186 = tpu.memref_squeeze %dma_start3A_185 : memref<1x8x1024xf32, #tpu.memory_space<vmem>> -> memref<8x1024xf32, #tpu.memory_space<vmem>>
    %dma_start3A_187 = tpu.memref_slice %arg3[%mul3A_155, %mul3A_173] : memref<8192x4096xf32, #tpu.memory_space<hbm>> -> memref<8x1024xf32, #tpu.memory_space<hbm>>
    tpu.enqueue_dma source(%dma_start3A_187 : memref<8x1024xf32, #tpu.memory_space<hbm>>) target(%dma_start3A_186 : memref<8x1024xf32, #tpu.memory_space<vmem>>) target_semaphore(%dma_start3A_182 : memref<!tpu.dma_semaphore, #tpu.memory_space<semaphore_mem>>)
    %dma_start3A_188 = arith.constant 0 : i32
    %dma_start3A_189 = arith.constant 1 : i32
    %dma_start3A_190 = arith.constant 0 : i32
    %dma_start3A_191 = arith.constant 1 : i32
    %dma_start3A_192 = arith.constant 0 : i32
    %dma_start3A_193 = arith.constant 0 : i32
    %dma_start3A_194 = tpu.memref_slice %arg5[%dma_start3A_189, %dma_start3A_190, %dma_start3A_192, %dma_start3A_193] : memref<3x4x8x1024xf32, #tpu.memory_space<vmem>> -> memref<1x1x8x1024xf32, #tpu.memory_space<vmem>>
    %dma_start3A_195 = tpu.memref_squeeze %dma_start3A_194 : memref<1x1x8x1024xf32, #tpu.memory_space<vmem>> -> memref<8x1024xf32, #tpu.memory_space<vmem>>
    %dma_start3A_196 = tpu.memref_slice %arg2[%dma_start3A_188, %mul3A_155, %mul3A_173] : memref<4x4096x4096xf32, #tpu.memory_space<hbm>> -> memref<1x8x1024xf32, #tpu.memory_space<hbm>>
    %dma_start3A_197 = tpu.memref_squeeze %dma_start3A_196 : memref<1x8x1024xf32, #tpu.memory_space<hbm>> -> memref<8x1024xf32, #tpu.memory_space<hbm>>
    %dma_start3A_198 = tpu.memref_slice %arg7[%dma_start3A_191] : memref<3x!tpu.dma_semaphore, #tpu.memory_space<semaphore_mem>> -> memref<1x!tpu.dma_semaphore, #tpu.memory_space<semaphore_mem>>
    %dma_start3A_199 = tpu.memref_squeeze %dma_start3A_198 : memref<1x!tpu.dma_semaphore, #tpu.memory_space<semaphore_mem>> -> memref<!tpu.dma_semaphore, #tpu.memory_space<semaphore_mem>>
    %dma_start3A_200 = arith.constant 0 : i32
    %dma_start3A_201 = arith.constant 0 : i32
    %dma_start3A_202 = tpu.memref_slice %arg5[%dma_start3A_189, %dma_start3A_190, %dma_start3A_200, %dma_start3A_201] : memref<3x4x8x1024xf32, #tpu.memory_space<vmem>> -> memref<1x1x8x1024xf32, #tpu.memory_space<vmem>>
    %dma_start3A_203 = tpu.memref_squeeze %dma_start3A_202 : memref<1x1x8x1024xf32, #tpu.memory_space<vmem>> -> memref<8x1024xf32, #tpu.memory_space<vmem>>
    %dma_start3A_204 = tpu.memref_slice %arg2[%dma_start3A_188, %mul3A_155, %mul3A_173] : memref<4x4096x4096xf32, #tpu.memory_space<hbm>> -> memref<1x8x1024xf32, #tpu.memory_space<hbm>>
    %dma_start3A_205 = tpu.memref_squeeze %dma_start3A_204 : memref<1x8x1024xf32, #tpu.memory_space<hbm>> -> memref<8x1024xf32, #tpu.memory_space<hbm>>
    tpu.enqueue_dma source(%dma_start3A_205 : memref<8x1024xf32, #tpu.memory_space<hbm>>) target(%dma_start3A_203 : memref<8x1024xf32, #tpu.memory_space<vmem>>) target_semaphore(%dma_start3A_199 : memref<!tpu.dma_semaphore, #tpu.memory_space<semaphore_mem>>)
    %dma_start3A_206 = arith.constant 1 : i32
    %dma_start3A_207 = arith.constant 1 : i32
    %dma_start3A_208 = arith.constant 1 : i32
    %dma_start3A_209 = arith.constant 1 : i32
    %dma_start3A_210 = arith.constant 0 : i32
    %dma_start3A_211 = arith.constant 0 : i32
    %dma_start3A_212 = tpu.memref_slice %arg5[%dma_start3A_207, %dma_start3A_208, %dma_start3A_210, %dma_start3A_211] : memref<3x4x8x1024xf32, #tpu.memory_space<vmem>> -> memref<1x1x8x1024xf32, #tpu.memory_space<vmem>>
    %dma_start3A_213 = tpu.memref_squeeze %dma_start3A_212 : memref<1x1x8x1024xf32, #tpu.memory_space<vmem>> -> memref<8x1024xf32, #tpu.memory_space<vmem>>
    %dma_start3A_214 = tpu.memref_slice %arg2[%dma_start3A_206, %mul3A_155, %mul3A_173] : memref<4x4096x4096xf32, #tpu.memory_space<hbm>> -> memref<1x8x1024xf32, #tpu.memory_space<hbm>>
    %dma_start3A_215 = tpu.memref_squeeze %dma_start3A_214 : memref<1x8x1024xf32, #tpu.memory_space<hbm>> -> memref<8x1024xf32, #tpu.memory_space<hbm>>
    %dma_start3A_216 = tpu.memref_slice %arg7[%dma_start3A_209] : memref<3x!tpu.dma_semaphore, #tpu.memory_space<semaphore_mem>> -> memref<1x!tpu.dma_semaphore, #tpu.memory_space<semaphore_mem>>
    %dma_start3A_217 = tpu.memref_squeeze %dma_start3A_216 : memref<1x!tpu.dma_semaphore, #tpu.memory_space<semaphore_mem>> -> memref<!tpu.dma_semaphore, #tpu.memory_space<semaphore_mem>>
    %dma_start3A_218 = arith.constant 0 : i32
    %dma_start3A_219 = arith.constant 0 : i32
    %dma_start3A_220 = tpu.memref_slice %arg5[%dma_start3A_207, %dma_start3A_208, %dma_start3A_218, %dma_start3A_219] : memref<3x4x8x1024xf32, #tpu.memory_space<vmem>> -> memref<1x1x8x1024xf32, #tpu.memory_space<vmem>>
    %dma_start3A_221 = tpu.memref_squeeze %dma_start3A_220 : memref<1x1x8x1024xf32, #tpu.memory_space<vmem>> -> memref<8x1024xf32, #tpu.memory_space<vmem>>
    %dma_start3A_222 = tpu.memref_slice %arg2[%dma_start3A_206, %mul3A_155, %mul3A_173] : memref<4x4096x4096xf32, #tpu.memory_space<hbm>> -> memref<1x8x1024xf32, #tpu.memory_space<hbm>>
    %dma_start3A_223 = tpu.memref_squeeze %dma_start3A_222 : memref<1x8x1024xf32, #tpu.memory_space<hbm>> -> memref<8x1024xf32, #tpu.memory_space<hbm>>
    tpu.enqueue_dma source(%dma_start3A_223 : memref<8x1024xf32, #tpu.memory_space<hbm>>) target(%dma_start3A_221 : memref<8x1024xf32, #tpu.memory_space<vmem>>) target_semaphore(%dma_start3A_217 : memref<!tpu.dma_semaphore, #tpu.memory_space<semaphore_mem>>)
    %dma_start3A_224 = arith.constant 2 : i32
    %dma_start3A_225 = arith.constant 1 : i32
    %dma_start3A_226 = arith.constant 2 : i32
    %dma_start3A_227 = arith.constant 1 : i32
    %dma_start3A_228 = arith.constant 0 : i32
    %dma_start3A_229 = arith.constant 0 : i32
    %dma_start3A_230 = tpu.memref_slice %arg5[%dma_start3A_225, %dma_start3A_226, %dma_start3A_228, %dma_start3A_229] : memref<3x4x8x1024xf32, #tpu.memory_space<vmem>> -> memref<1x1x8x1024xf32, #tpu.memory_space<vmem>>
    %dma_start3A_231 = tpu.memref_squeeze %dma_start3A_230 : memref<1x1x8x1024xf32, #tpu.memory_space<vmem>> -> memref<8x1024xf32, #tpu.memory_space<vmem>>
    %dma_start3A_232 = tpu.memref_slice %arg2[%dma_start3A_224, %mul3A_155, %mul3A_173] : memref<4x4096x4096xf32, #tpu.memory_space<hbm>> -> memref<1x8x1024xf32, #tpu.memory_space<hbm>>
    %dma_start3A_233 = tpu.memref_squeeze %dma_start3A_232 : memref<1x8x1024xf32, #tpu.memory_space<hbm>> -> memref<8x1024xf32, #tpu.memory_space<hbm>>
    %dma_start3A_234 = tpu.memref_slice %arg7[%dma_start3A_227] : memref<3x!tpu.dma_semaphore, #tpu.memory_space<semaphore_mem>> -> memref<1x!tpu.dma_semaphore, #tpu.memory_space<semaphore_mem>>
    %dma_start3A_235 = tpu.memref_squeeze %dma_start3A_234 : memref<1x!tpu.dma_semaphore, #tpu.memory_space<semaphore_mem>> -> memref<!tpu.dma_semaphore, #tpu.memory_space<semaphore_mem>>
    %dma_start3A_236 = arith.constant 0 : i32
    %dma_start3A_237 = arith.constant 0 : i32
    %dma_start3A_238 = tpu.memref_slice %arg5[%dma_start3A_225, %dma_start3A_226, %dma_start3A_236, %dma_start3A_237] : memref<3x4x8x1024xf32, #tpu.memory_space<vmem>> -> memref<1x1x8x1024xf32, #tpu.memory_space<vmem>>
    %dma_start3A_239 = tpu.memref_squeeze %dma_start3A_238 : memref<1x1x8x1024xf32, #tpu.memory_space<vmem>> -> memref<8x1024xf32, #tpu.memory_space<vmem>>
    %dma_start3A_240 = tpu.memref_slice %arg2[%dma_start3A_224, %mul3A_155, %mul3A_173] : memref<4x4096x4096xf32, #tpu.memory_space<hbm>> -> memref<1x8x1024xf32, #tpu.memory_space<hbm>>
    %dma_start3A_241 = tpu.memref_squeeze %dma_start3A_240 : memref<1x8x1024xf32, #tpu.memory_space<hbm>> -> memref<8x1024xf32, #tpu.memory_space<hbm>>
    tpu.enqueue_dma source(%dma_start3A_241 : memref<8x1024xf32, #tpu.memory_space<hbm>>) target(%dma_start3A_239 : memref<8x1024xf32, #tpu.memory_space<vmem>>) target_semaphore(%dma_start3A_235 : memref<!tpu.dma_semaphore, #tpu.memory_space<semaphore_mem>>)
    %dma_start3A_242 = arith.constant 3 : i32
    %dma_start3A_243 = arith.constant 1 : i32
    %dma_start3A_244 = arith.constant 3 : i32
    %dma_start3A_245 = arith.constant 1 : i32
    %dma_start3A_246 = arith.constant 0 : i32
    %dma_start3A_247 = arith.constant 0 : i32
    %dma_start3A_248 = tpu.memref_slice %arg5[%dma_start3A_243, %dma_start3A_244, %dma_start3A_246, %dma_start3A_247] : memref<3x4x8x1024xf32, #tpu.memory_space<vmem>> -> memref<1x1x8x1024xf32, #tpu.memory_space<vmem>>
    %dma_start3A_249 = tpu.memref_squeeze %dma_start3A_248 : memref<1x1x8x1024xf32, #tpu.memory_space<vmem>> -> memref<8x1024xf32, #tpu.memory_space<vmem>>
    %dma_start3A_250 = tpu.memref_slice %arg2[%dma_start3A_242, %mul3A_155, %mul3A_173] : memref<4x4096x4096xf32, #tpu.memory_space<hbm>> -> memref<1x8x1024xf32, #tpu.memory_space<hbm>>
    %dma_start3A_251 = tpu.memref_squeeze %dma_start3A_250 : memref<1x8x1024xf32, #tpu.memory_space<hbm>> -> memref<8x1024xf32, #tpu.memory_space<hbm>>
    %dma_start3A_252 = tpu.memref_slice %arg7[%dma_start3A_245] : memref<3x!tpu.dma_semaphore, #tpu.memory_space<semaphore_mem>> -> memref<1x!tpu.dma_semaphore, #tpu.memory_space<semaphore_mem>>
    %dma_start3A_253 = tpu.memref_squeeze %dma_start3A_252 : memref<1x!tpu.dma_semaphore, #tpu.memory_space<semaphore_mem>> -> memref<!tpu.dma_semaphore, #tpu.memory_space<semaphore_mem>>
    %dma_start3A_254 = arith.constant 0 : i32
    %dma_start3A_255 = arith.constant 0 : i32
    %dma_start3A_256 = tpu.memref_slice %arg5[%dma_start3A_243, %dma_start3A_244, %dma_start3A_254, %dma_start3A_255] : memref<3x4x8x1024xf32, #tpu.memory_space<vmem>> -> memref<1x1x8x1024xf32, #tpu.memory_space<vmem>>
    %dma_start3A_257 = tpu.memref_squeeze %dma_start3A_256 : memref<1x1x8x1024xf32, #tpu.memory_space<vmem>> -> memref<8x1024xf32, #tpu.memory_space<vmem>>
    %dma_start3A_258 = tpu.memref_slice %arg2[%dma_start3A_242, %mul3A_155, %mul3A_173] : memref<4x4096x4096xf32, #tpu.memory_space<hbm>> -> memref<1x8x1024xf32, #tpu.memory_space<hbm>>
    %dma_start3A_259 = tpu.memref_squeeze %dma_start3A_258 : memref<1x8x1024xf32, #tpu.memory_space<hbm>> -> memref<8x1024xf32, #tpu.memory_space<hbm>>
    tpu.enqueue_dma source(%dma_start3A_259 : memref<8x1024xf32, #tpu.memory_space<hbm>>) target(%dma_start3A_257 : memref<8x1024xf32, #tpu.memory_space<vmem>>) target_semaphore(%dma_start3A_253 : memref<!tpu.dma_semaphore, #tpu.memory_space<semaphore_mem>>)
    %scan3A = arith.constant 0 : i32
    %scan3A_260 = arith.constant 64 : i32
    %scan3A_261 = arith.addi %scan3A, %scan3A_260 : i32
    %scan3A_262 = arith.constant 1 : i32
    scf.for %scan3A_651 = %scan3A to %scan3A_261 step %scan3A_262  : i32 {
      %rem3A_652 = arith.constant 3 : i32
      %rem3A_653 = arith.remsi %scan3A_651, %rem3A_652 : i32
      %add3A_654 = arith.addi %mul3A_2, %scan3A_651 : i32
      %and3A_655 = arith.constant 2047 : i32
      %and3A_656 = arith.andi %add3A_654, %and3A_655 : i32
      %jit3A_657 = arith.constant 4 : i32
      %div3A_658 = arith.divsi %and3A_656, %jit3A_657 : i32
      %sign3A_659 = arith.constant 0 : i32
      %sign3A_660 = arith.cmpi sgt, %and3A_656, %sign3A_659 : i32
      %sign3A_661 = arith.extui %sign3A_660 : i1 to i32
      %sign3A_662 = arith.constant 0 : i32
      %sign3A_663 = arith.cmpi slt, %and3A_656, %sign3A_662 : i32
      %sign3A_664 = arith.extui %sign3A_663 : i1 to i32
      %sign3A_665 = arith.subi %sign3A_661, %sign3A_664 : i32
      %sign3A_666 = arith.constant 0 : i32
      %sign3A_667 = arith.cmpi sgt, %jit3A_657, %sign3A_666 : i32
      %sign3A_668 = arith.extui %sign3A_667 : i1 to i32
      %sign3A_669 = arith.constant 0 : i32
      %sign3A_670 = arith.cmpi slt, %jit3A_657, %sign3A_669 : i32
      %sign3A_671 = arith.extui %sign3A_670 : i1 to i32
      %sign3A_672 = arith.subi %sign3A_668, %sign3A_671 : i32
      %ne3A_673 = arith.cmpi ne, %sign3A_665, %sign3A_672 : i32
      %rem3A_674 = arith.remsi %and3A_656, %jit3A_657 : i32
      %ne3A_675 = arith.constant 0 : i32
      %ne3A_676 = arith.cmpi ne, %rem3A_674, %ne3A_675 : i32
      %and3A_677 = arith.andi %ne3A_673, %ne3A_676 : i1
      %sub3A_678 = arith.constant 1 : i32
      %sub3A_679 = arith.subi %div3A_658, %sub3A_678 : i32
      %select_n3A_680 = arith.select %and3A_677, %sub3A_679, %div3A_658 : i32
      %mul3A_681 = arith.constant 8 : i32
      %mul3A_682 = arith.muli %select_n3A_680, %mul3A_681 : i32
      %jit3A_683 = arith.constant 4 : i32
      %eq3A_684 = arith.constant 0 : i32
      %eq3A_685 = arith.cmpi eq, %jit3A_683, %eq3A_684 : i32
      %jit3A_686 = arith.constant 1 : i32
      %select_n3A_687 = arith.select %eq3A_685, %jit3A_686, %jit3A_683 : i32
      %rem3A_688 = arith.remsi %and3A_656, %select_n3A_687 : i32
      %ne3A_689 = arith.constant 0 : i32
      %ne3A_690 = arith.cmpi ne, %rem3A_688, %ne3A_689 : i32
      %lt3A_691 = arith.constant 0 : i32
      %lt3A_692 = arith.cmpi slt, %rem3A_688, %lt3A_691 : i32
      %lt3A_693 = arith.constant 0 : i32
      %lt3A_694 = arith.cmpi slt, %select_n3A_687, %lt3A_693 : i32
      %ne3A_695 = arith.xori %lt3A_692, %lt3A_694 : i1
      %and3A_696 = arith.andi %ne3A_695, %ne3A_690 : i1
      %add3A_697 = arith.addi %rem3A_688, %select_n3A_687 : i32
      %select_n3A_698 = arith.select %and3A_696, %add3A_697, %rem3A_688 : i32
      %mul3A_699 = arith.constant 1024 : i32
      %mul3A_700 = arith.muli %select_n3A_698, %mul3A_699 : i32
      %dma_wait3A_701 = arith.constant 0 : i32
      %dma_wait3A_702 = arith.constant 0 : i32
      %dma_wait3A_703 = tpu.memref_slice %arg6[%rem3A_653, %dma_wait3A_701, %dma_wait3A_702] : memref<3x8x1024xf32, #tpu.memory_space<vmem>> -> memref<1x8x1024xf32, #tpu.memory_space<vmem>>
      %dma_wait3A_704 = tpu.memref_squeeze %dma_wait3A_703 : memref<1x8x1024xf32, #tpu.memory_space<vmem>> -> memref<8x1024xf32, #tpu.memory_space<vmem>>
      %dma_wait3A_705 = tpu.memref_slice %arg3[%mul3A_682, %mul3A_700] : memref<8192x4096xf32, #tpu.memory_space<hbm>> -> memref<8x1024xf32, #tpu.memory_space<hbm>>
      %dma_wait3A_706 = tpu.memref_slice %arg8[%rem3A_653] : memref<3x!tpu.dma_semaphore, #tpu.memory_space<semaphore_mem>> -> memref<1x!tpu.dma_semaphore, #tpu.memory_space<semaphore_mem>>
      %dma_wait3A_707 = tpu.memref_squeeze %dma_wait3A_706 : memref<1x!tpu.dma_semaphore, #tpu.memory_space<semaphore_mem>> -> memref<!tpu.dma_semaphore, #tpu.memory_space<semaphore_mem>>
      %dma_wait3A_708 = arith.constant 0 : i32
      %dma_wait3A_709 = arith.constant 0 : i32
      %dma_wait3A_710 = tpu.memref_slice %arg6[%rem3A_653, %dma_wait3A_708, %dma_wait3A_709] : memref<3x8x1024xf32, #tpu.memory_space<vmem>> -> memref<1x8x1024xf32, #tpu.memory_space<vmem>>
      %dma_wait3A_711 = tpu.memref_squeeze %dma_wait3A_710 : memref<1x8x1024xf32, #tpu.memory_space<vmem>> -> memref<8x1024xf32, #tpu.memory_space<vmem>>
      %dma_wait3A_712 = tpu.memref_slice %arg3[%mul3A_682, %mul3A_700] : memref<8192x4096xf32, #tpu.memory_space<hbm>> -> memref<8x1024xf32, #tpu.memory_space<hbm>>
      tpu.wait_dma2 semaphore(%dma_wait3A_707 : memref<!tpu.dma_semaphore, #tpu.memory_space<semaphore_mem>>) src(%dma_wait3A_712 : memref<8x1024xf32, #tpu.memory_space<hbm>>) dst(%dma_wait3A_711 : memref<8x1024xf32, #tpu.memory_space<vmem>>)
      %dma_wait3A_713 = arith.constant 0 : i32
      %dma_wait3A_714 = arith.constant 0 : i32
      %dma_wait3A_715 = arith.constant 0 : i32
      %dma_wait3A_716 = arith.constant 0 : i32
      %dma_wait3A_717 = tpu.memref_slice %arg5[%rem3A_653, %dma_wait3A_714, %dma_wait3A_715, %dma_wait3A_716] : memref<3x4x8x1024xf32, #tpu.memory_space<vmem>> -> memref<1x1x8x1024xf32, #tpu.memory_space<vmem>>
      %dma_wait3A_718 = tpu.memref_squeeze %dma_wait3A_717 : memref<1x1x8x1024xf32, #tpu.memory_space<vmem>> -> memref<8x1024xf32, #tpu.memory_space<vmem>>
      %dma_wait3A_719 = tpu.memref_slice %arg2[%dma_wait3A_713, %mul3A_682, %mul3A_700] : memref<4x4096x4096xf32, #tpu.memory_space<hbm>> -> memref<1x8x1024xf32, #tpu.memory_space<hbm>>
      %dma_wait3A_720 = tpu.memref_squeeze %dma_wait3A_719 : memref<1x8x1024xf32, #tpu.memory_space<hbm>> -> memref<8x1024xf32, #tpu.memory_space<hbm>>
      %dma_wait3A_721 = tpu.memref_slice %arg7[%rem3A_653] : memref<3x!tpu.dma_semaphore, #tpu.memory_space<semaphore_mem>> -> memref<1x!tpu.dma_semaphore, #tpu.memory_space<semaphore_mem>>
      %dma_wait3A_722 = tpu.memref_squeeze %dma_wait3A_721 : memref<1x!tpu.dma_semaphore, #tpu.memory_space<semaphore_mem>> -> memref<!tpu.dma_semaphore, #tpu.memory_space<semaphore_mem>>
      %dma_wait3A_723 = arith.constant 0 : i32
      %dma_wait3A_724 = arith.constant 0 : i32
      %dma_wait3A_725 = tpu.memref_slice %arg5[%rem3A_653, %dma_wait3A_714, %dma_wait3A_723, %dma_wait3A_724] : memref<3x4x8x1024xf32, #tpu.memory_space<vmem>> -> memref<1x1x8x1024xf32, #tpu.memory_space<vmem>>
      %dma_wait3A_726 = tpu.memref_squeeze %dma_wait3A_725 : memref<1x1x8x1024xf32, #tpu.memory_space<vmem>> -> memref<8x1024xf32, #tpu.memory_space<vmem>>
      %dma_wait3A_727 = tpu.memref_slice %arg2[%dma_wait3A_713, %mul3A_682, %mul3A_700] : memref<4x4096x4096xf32, #tpu.memory_space<hbm>> -> memref<1x8x1024xf32, #tpu.memory_space<hbm>>
      %dma_wait3A_728 = tpu.memref_squeeze %dma_wait3A_727 : memref<1x8x1024xf32, #tpu.memory_space<hbm>> -> memref<8x1024xf32, #tpu.memory_space<hbm>>
      tpu.wait_dma2 semaphore(%dma_wait3A_722 : memref<!tpu.dma_semaphore, #tpu.memory_space<semaphore_mem>>) src(%dma_wait3A_728 : memref<8x1024xf32, #tpu.memory_space<hbm>>) dst(%dma_wait3A_726 : memref<8x1024xf32, #tpu.memory_space<vmem>>)
      %dma_wait3A_729 = arith.constant 1 : i32
      %dma_wait3A_730 = arith.constant 1 : i32
      %dma_wait3A_731 = arith.constant 0 : i32
      %dma_wait3A_732 = arith.constant 0 : i32
      %dma_wait3A_733 = tpu.memref_slice %arg5[%rem3A_653, %dma_wait3A_730, %dma_wait3A_731, %dma_wait3A_732] : memref<3x4x8x1024xf32, #tpu.memory_space<vmem>> -> memref<1x1x8x1024xf32, #tpu.memory_space<vmem>>
      %dma_wait3A_734 = tpu.memref_squeeze %dma_wait3A_733 : memref<1x1x8x1024xf32, #tpu.memory_space<vmem>> -> memref<8x1024xf32, #tpu.memory_space<vmem>>
      %dma_wait3A_735 = tpu.memref_slice %arg2[%dma_wait3A_729, %mul3A_682, %mul3A_700] : memref<4x4096x4096xf32, #tpu.memory_space<hbm>> -> memref<1x8x1024xf32, #tpu.memory_space<hbm>>
      %dma_wait3A_736 = tpu.memref_squeeze %dma_wait3A_735 : memref<1x8x1024xf32, #tpu.memory_space<hbm>> -> memref<8x1024xf32, #tpu.memory_space<hbm>>
      %dma_wait3A_737 = tpu.memref_slice %arg7[%rem3A_653] : memref<3x!tpu.dma_semaphore, #tpu.memory_space<semaphore_mem>> -> memref<1x!tpu.dma_semaphore, #tpu.memory_space<semaphore_mem>>
      %dma_wait3A_738 = tpu.memref_squeeze %dma_wait3A_737 : memref<1x!tpu.dma_semaphore, #tpu.memory_space<semaphore_mem>> -> memref<!tpu.dma_semaphore, #tpu.memory_space<semaphore_mem>>
      %dma_wait3A_739 = arith.constant 0 : i32
      %dma_wait3A_740 = arith.constant 0 : i32
      %dma_wait3A_741 = tpu.memref_slice %arg5[%rem3A_653, %dma_wait3A_730, %dma_wait3A_739, %dma_wait3A_740] : memref<3x4x8x1024xf32, #tpu.memory_space<vmem>> -> memref<1x1x8x1024xf32, #tpu.memory_space<vmem>>
      %dma_wait3A_742 = tpu.memref_squeeze %dma_wait3A_741 : memref<1x1x8x1024xf32, #tpu.memory_space<vmem>> -> memref<8x1024xf32, #tpu.memory_space<vmem>>
      %dma_wait3A_743 = tpu.memref_slice %arg2[%dma_wait3A_729, %mul3A_682, %mul3A_700] : memref<4x4096x4096xf32, #tpu.memory_space<hbm>> -> memref<1x8x1024xf32, #tpu.memory_space<hbm>>
      %dma_wait3A_744 = tpu.memref_squeeze %dma_wait3A_743 : memref<1x8x1024xf32, #tpu.memory_space<hbm>> -> memref<8x1024xf32, #tpu.memory_space<hbm>>
      tpu.wait_dma2 semaphore(%dma_wait3A_738 : memref<!tpu.dma_semaphore, #tpu.memory_space<semaphore_mem>>) src(%dma_wait3A_744 : memref<8x1024xf32, #tpu.memory_space<hbm>>) dst(%dma_wait3A_742 : memref<8x1024xf32, #tpu.memory_space<vmem>>)
      %dma_wait3A_745 = arith.constant 2 : i32
      %dma_wait3A_746 = arith.constant 2 : i32
      %dma_wait3A_747 = arith.constant 0 : i32
      %dma_wait3A_748 = arith.constant 0 : i32
      %dma_wait3A_749 = tpu.memref_slice %arg5[%rem3A_653, %dma_wait3A_746, %dma_wait3A_747, %dma_wait3A_748] : memref<3x4x8x1024xf32, #tpu.memory_space<vmem>> -> memref<1x1x8x1024xf32, #tpu.memory_space<vmem>>
      %dma_wait3A_750 = tpu.memref_squeeze %dma_wait3A_749 : memref<1x1x8x1024xf32, #tpu.memory_space<vmem>> -> memref<8x1024xf32, #tpu.memory_space<vmem>>
      %dma_wait3A_751 = tpu.memref_slice %arg2[%dma_wait3A_745, %mul3A_682, %mul3A_700] : memref<4x4096x4096xf32, #tpu.memory_space<hbm>> -> memref<1x8x1024xf32, #tpu.memory_space<hbm>>
      %dma_wait3A_752 = tpu.memref_squeeze %dma_wait3A_751 : memref<1x8x1024xf32, #tpu.memory_space<hbm>> -> memref<8x1024xf32, #tpu.memory_space<hbm>>
      %dma_wait3A_753 = tpu.memref_slice %arg7[%rem3A_653] : memref<3x!tpu.dma_semaphore, #tpu.memory_space<semaphore_mem>> -> memref<1x!tpu.dma_semaphore, #tpu.memory_space<semaphore_mem>>
      %dma_wait3A_754 = tpu.memref_squeeze %dma_wait3A_753 : memref<1x!tpu.dma_semaphore, #tpu.memory_space<semaphore_mem>> -> memref<!tpu.dma_semaphore, #tpu.memory_space<semaphore_mem>>
      %dma_wait3A_755 = arith.constant 0 : i32
      %dma_wait3A_756 = arith.constant 0 : i32
      %dma_wait3A_757 = tpu.memref_slice %arg5[%rem3A_653, %dma_wait3A_746, %dma_wait3A_755, %dma_wait3A_756] : memref<3x4x8x1024xf32, #tpu.memory_space<vmem>> -> memref<1x1x8x1024xf32, #tpu.memory_space<vmem>>
      %dma_wait3A_758 = tpu.memref_squeeze %dma_wait3A_757 : memref<1x1x8x1024xf32, #tpu.memory_space<vmem>> -> memref<8x1024xf32, #tpu.memory_space<vmem>>
      %dma_wait3A_759 = tpu.memref_slice %arg2[%dma_wait3A_745, %mul3A_682, %mul3A_700] : memref<4x4096x4096xf32, #tpu.memory_space<hbm>> -> memref<1x8x1024xf32, #tpu.memory_space<hbm>>
      %dma_wait3A_760 = tpu.memref_squeeze %dma_wait3A_759 : memref<1x8x1024xf32, #tpu.memory_space<hbm>> -> memref<8x1024xf32, #tpu.memory_space<hbm>>
      tpu.wait_dma2 semaphore(%dma_wait3A_754 : memref<!tpu.dma_semaphore, #tpu.memory_space<semaphore_mem>>) src(%dma_wait3A_760 : memref<8x1024xf32, #tpu.memory_space<hbm>>) dst(%dma_wait3A_758 : memref<8x1024xf32, #tpu.memory_space<vmem>>)
      %dma_wait3A_761 = arith.constant 3 : i32
      %dma_wait3A_762 = arith.constant 3 : i32
      %dma_wait3A_763 = arith.constant 0 : i32
      %dma_wait3A_764 = arith.constant 0 : i32
      %dma_wait3A_765 = tpu.memref_slice %arg5[%rem3A_653, %dma_wait3A_762, %dma_wait3A_763, %dma_wait3A_764] : memref<3x4x8x1024xf32, #tpu.memory_space<vmem>> -> memref<1x1x8x1024xf32, #tpu.memory_space<vmem>>
      %dma_wait3A_766 = tpu.memref_squeeze %dma_wait3A_765 : memref<1x1x8x1024xf32, #tpu.memory_space<vmem>> -> memref<8x1024xf32, #tpu.memory_space<vmem>>
      %dma_wait3A_767 = tpu.memref_slice %arg2[%dma_wait3A_761, %mul3A_682, %mul3A_700] : memref<4x4096x4096xf32, #tpu.memory_space<hbm>> -> memref<1x8x1024xf32, #tpu.memory_space<hbm>>
      %dma_wait3A_768 = tpu.memref_squeeze %dma_wait3A_767 : memref<1x8x1024xf32, #tpu.memory_space<hbm>> -> memref<8x1024xf32, #tpu.memory_space<hbm>>
      %dma_wait3A_769 = tpu.memref_slice %arg7[%rem3A_653] : memref<3x!tpu.dma_semaphore, #tpu.memory_space<semaphore_mem>> -> memref<1x!tpu.dma_semaphore, #tpu.memory_space<semaphore_mem>>
      %dma_wait3A_770 = tpu.memref_squeeze %dma_wait3A_769 : memref<1x!tpu.dma_semaphore, #tpu.memory_space<semaphore_mem>> -> memref<!tpu.dma_semaphore, #tpu.memory_space<semaphore_mem>>
      %dma_wait3A_771 = arith.constant 0 : i32
      %dma_wait3A_772 = arith.constant 0 : i32
      %dma_wait3A_773 = tpu.memref_slice %arg5[%rem3A_653, %dma_wait3A_762, %dma_wait3A_771, %dma_wait3A_772] : memref<3x4x8x1024xf32, #tpu.memory_space<vmem>> -> memref<1x1x8x1024xf32, #tpu.memory_space<vmem>>
      %dma_wait3A_774 = tpu.memref_squeeze %dma_wait3A_773 : memref<1x1x8x1024xf32, #tpu.memory_space<vmem>> -> memref<8x1024xf32, #tpu.memory_space<vmem>>
      %dma_wait3A_775 = tpu.memref_slice %arg2[%dma_wait3A_761, %mul3A_682, %mul3A_700] : memref<4x4096x4096xf32, #tpu.memory_space<hbm>> -> memref<1x8x1024xf32, #tpu.memory_space<hbm>>
      %dma_wait3A_776 = tpu.memref_squeeze %dma_wait3A_775 : memref<1x8x1024xf32, #tpu.memory_space<hbm>> -> memref<8x1024xf32, #tpu.memory_space<hbm>>
      tpu.wait_dma2 semaphore(%dma_wait3A_770 : memref<!tpu.dma_semaphore, #tpu.memory_space<semaphore_mem>>) src(%dma_wait3A_776 : memref<8x1024xf32, #tpu.memory_space<hbm>>) dst(%dma_wait3A_774 : memref<8x1024xf32, #tpu.memory_space<vmem>>)
      %parallel_loop3A = arith.constant 0 : i32
      %parallel_loop3A_777 = arith.constant 8192 : i32
      %parallel_loop3A_778 = arith.constant 16 : i32
      scf.for %parallel_loop3A_1021 = %parallel_loop3A to %parallel_loop3A_777 step %parallel_loop3A_778  : i32 {
        %parallel_loop3A_1022 = arith.constant 10 : i32
        %parallel_loop3A_1023 = arith.shrsi %parallel_loop3A_1021, %parallel_loop3A_1022 : i32
        %parallel_loop3A_1024 = arith.constant 1023 : i32
        %parallel_loop3A_1025 = arith.andi %parallel_loop3A_1021, %parallel_loop3A_1024 : i32
        %parallel_loop3A_1026 = tpu.assume_multiple %parallel_loop3A_1025, 16 : i32
        %parallel_loop3A_1027 = arith.index_cast %rem3A_653 : i32 to index
        %parallel_loop3A_1028 = arith.index_cast %parallel_loop3A_1023 : i32 to index
        %parallel_loop3A_1029 = arith.index_cast %parallel_loop3A_1026 : i32 to index
        %parallel_loop3A_1030 = tpu.vector_load %arg6[%parallel_loop3A_1027, %parallel_loop3A_1028, %parallel_loop3A_1029] {strides = array<i32>} : memref<3x8x1024xf32, #tpu.memory_space<vmem>>, vector<1x1x16xf32>,
        %parallel_loop3A_1031 = vector.shape_cast %parallel_loop3A_1030 : vector<1x1x16xf32> to vector<16xf32>
        %parallel_loop3A_1032 = arith.constant 0 : i32
        %parallel_loop3A_1033 = arith.constant 0 : i32
        %parallel_loop3A_1034 = arith.constant 0 : i32
        %parallel_loop3A_1035 = arith.constant 0 : i32
        %parallel_loop3A_1036 = tpu.memref_slice %arg5[%rem3A_653, %parallel_loop3A_1033, %parallel_loop3A_1034, %parallel_loop3A_1035] : memref<3x4x8x1024xf32, #tpu.memory_space<vmem>> -> memref<1x4x8x1024xf32, #tpu.memory_space<vmem>>
        %parallel_loop3A_1037 = tpu.memref_squeeze %parallel_loop3A_1036 : memref<1x4x8x1024xf32, #tpu.memory_space<vmem>> -> memref<4x8x1024xf32, #tpu.memory_space<vmem>>
        %parallel_loop3A_1038 = arith.constant 0 : i32
        %parallel_loop3A_1039 = arith.constant 0 : i32
        %parallel_loop3A_1040 = tpu.memref_slice %parallel_loop3A_1037[%parallel_loop3A_1032, %parallel_loop3A_1038, %parallel_loop3A_1039] : memref<4x8x1024xf32, #tpu.memory_space<vmem>> -> memref<1x8x1024xf32, #tpu.memory_space<vmem>>
        %parallel_loop3A_1041 = tpu.memref_squeeze %parallel_loop3A_1040 : memref<1x8x1024xf32, #tpu.memory_space<vmem>> -> memref<8x1024xf32, #tpu.memory_space<vmem>>
        %parallel_loop3A_1042 = arith.constant 0 : i32
        %parallel_loop3A_1043 = tpu.memref_slice %parallel_loop3A_1041[%parallel_loop3A_1023, %parallel_loop3A_1042] : memref<8x1024xf32, #tpu.memory_space<vmem>> -> memref<1x1024xf32, #tpu.memory_space<vmem>>
        %parallel_loop3A_1044 = tpu.memref_squeeze %parallel_loop3A_1043 : memref<1x1024xf32, #tpu.memory_space<vmem>> -> memref<1024xf32, #tpu.memory_space<vmem>>
        %parallel_loop3A_1045 = arith.index_cast %parallel_loop3A_1026 : i32 to index
        %parallel_loop3A_1046 = tpu.vector_load %parallel_loop3A_1044[%parallel_loop3A_1045] {strides = array<i32>} : memref<1024xf32, #tpu.memory_space<vmem>>, vector<16xf32>,
        %parallel_loop3A_1047 = vector.shape_cast %parallel_loop3A_1046 : vector<16xf32> to vector<16xf32>
        %parallel_loop3A_1048 = vector.shape_cast %parallel_loop3A_1031 : vector<16xf32> to vector<16xf32>
        tpu.vector_store %parallel_loop3A_1044[%parallel_loop3A_1045], %parallel_loop3A_1048 {add = true, strides = array<i32>} : memref<1024xf32, #tpu.memory_space<vmem>>, vector<16xf32>,
        %parallel_loop3A_1049 = arith.constant 1 : i32
        %parallel_loop3A_1050 = arith.constant 0 : i32
        %parallel_loop3A_1051 = arith.constant 0 : i32
        %parallel_loop3A_1052 = arith.constant 0 : i32
        %parallel_loop3A_1053 = tpu.memref_slice %arg5[%rem3A_653, %parallel_loop3A_1050, %parallel_loop3A_1051, %parallel_loop3A_1052] : memref<3x4x8x1024xf32, #tpu.memory_space<vmem>> -> memref<1x4x8x1024xf32, #tpu.memory_space<vmem>>
        %parallel_loop3A_1054 = tpu.memref_squeeze %parallel_loop3A_1053 : memref<1x4x8x1024xf32, #tpu.memory_space<vmem>> -> memref<4x8x1024xf32, #tpu.memory_space<vmem>>
        %parallel_loop3A_1055 = arith.constant 0 : i32
        %parallel_loop3A_1056 = arith.constant 0 : i32
        %parallel_loop3A_1057 = tpu.memref_slice %parallel_loop3A_1054[%parallel_loop3A_1049, %parallel_loop3A_1055, %parallel_loop3A_1056] : memref<4x8x1024xf32, #tpu.memory_space<vmem>> -> memref<1x8x1024xf32, #tpu.memory_space<vmem>>
        %parallel_loop3A_1058 = tpu.memref_squeeze %parallel_loop3A_1057 : memref<1x8x1024xf32, #tpu.memory_space<vmem>> -> memref<8x1024xf32, #tpu.memory_space<vmem>>
        %parallel_loop3A_1059 = arith.constant 0 : i32
        %parallel_loop3A_1060 = tpu.memref_slice %parallel_loop3A_1058[%parallel_loop3A_1023, %parallel_loop3A_1059] : memref<8x1024xf32, #tpu.memory_space<vmem>> -> memref<1x1024xf32, #tpu.memory_space<vmem>>
        %parallel_loop3A_1061 = tpu.memref_squeeze %parallel_loop3A_1060 : memref<1x1024xf32, #tpu.memory_space<vmem>> -> memref<1024xf32, #tpu.memory_space<vmem>>
        %parallel_loop3A_1062 = arith.index_cast %parallel_loop3A_1026 : i32 to index
        %parallel_loop3A_1063 = tpu.vector_load %parallel_loop3A_1061[%parallel_loop3A_1062] {strides = array<i32>} : memref<1024xf32, #tpu.memory_space<vmem>>, vector<16xf32>,
        %parallel_loop3A_1064 = vector.shape_cast %parallel_loop3A_1063 : vector<16xf32> to vector<16xf32>
        %parallel_loop3A_1065 = vector.shape_cast %parallel_loop3A_1031 : vector<16xf32> to vector<16xf32>
        tpu.vector_store %parallel_loop3A_1061[%parallel_loop3A_1062], %parallel_loop3A_1065 {add = true, strides = array<i32>} : memref<1024xf32, #tpu.memory_space<vmem>>, vector<16xf32>,
        %parallel_loop3A_1066 = arith.constant 2 : i32
        %parallel_loop3A_1067 = arith.constant 0 : i32
        %parallel_loop3A_1068 = arith.constant 0 : i32
        %parallel_loop3A_1069 = arith.constant 0 : i32
        %parallel_loop3A_1070 = tpu.memref_slice %arg5[%rem3A_653, %parallel_loop3A_1067, %parallel_loop3A_1068, %parallel_loop3A_1069] : memref<3x4x8x1024xf32, #tpu.memory_space<vmem>> -> memref<1x4x8x1024xf32, #tpu.memory_space<vmem>>
        %parallel_loop3A_1071 = tpu.memref_squeeze %parallel_loop3A_1070 : memref<1x4x8x1024xf32, #tpu.memory_space<vmem>> -> memref<4x8x1024xf32, #tpu.memory_space<vmem>>
        %parallel_loop3A_1072 = arith.constant 0 : i32
        %parallel_loop3A_1073 = arith.constant 0 : i32
        %parallel_loop3A_1074 = tpu.memref_slice %parallel_loop3A_1071[%parallel_loop3A_1066, %parallel_loop3A_1072, %parallel_loop3A_1073] : memref<4x8x1024xf32, #tpu.memory_space<vmem>> -> memref<1x8x1024xf32, #tpu.memory_space<vmem>>
        %parallel_loop3A_1075 = tpu.memref_squeeze %parallel_loop3A_1074 : memref<1x8x1024xf32, #tpu.memory_space<vmem>> -> memref<8x1024xf32, #tpu.memory_space<vmem>>
        %parallel_loop3A_1076 = arith.constant 0 : i32
        %parallel_loop3A_1077 = tpu.memref_slice %parallel_loop3A_1075[%parallel_loop3A_1023, %parallel_loop3A_1076] : memref<8x1024xf32, #tpu.memory_space<vmem>> -> memref<1x1024xf32, #tpu.memory_space<vmem>>
        %parallel_loop3A_1078 = tpu.memref_squeeze %parallel_loop3A_1077 : memref<1x1024xf32, #tpu.memory_space<vmem>> -> memref<1024xf32, #tpu.memory_space<vmem>>
        %parallel_loop3A_1079 = arith.index_cast %parallel_loop3A_1026 : i32 to index
        %parallel_loop3A_1080 = tpu.vector_load %parallel_loop3A_1078[%parallel_loop3A_1079] {strides = array<i32>} : memref<1024xf32, #tpu.memory_space<vmem>>, vector<16xf32>,
        %parallel_loop3A_1081 = vector.shape_cast %parallel_loop3A_1080 : vector<16xf32> to vector<16xf32>
        %parallel_loop3A_1082 = vector.shape_cast %parallel_loop3A_1031 : vector<16xf32> to vector<16xf32>
        tpu.vector_store %parallel_loop3A_1078[%parallel_loop3A_1079], %parallel_loop3A_1082 {add = true, strides = array<i32>} : memref<1024xf32, #tpu.memory_space<vmem>>, vector<16xf32>,
        %parallel_loop3A_1083 = arith.constant 3 : i32
        %parallel_loop3A_1084 = arith.constant 0 : i32
        %parallel_loop3A_1085 = arith.constant 0 : i32
        %parallel_loop3A_1086 = arith.constant 0 : i32
        %parallel_loop3A_1087 = tpu.memref_slice %arg5[%rem3A_653, %parallel_loop3A_1084, %parallel_loop3A_1085, %parallel_loop3A_1086] : memref<3x4x8x1024xf32, #tpu.memory_space<vmem>> -> memref<1x4x8x1024xf32, #tpu.memory_space<vmem>>
        %parallel_loop3A_1088 = tpu.memref_squeeze %parallel_loop3A_1087 : memref<1x4x8x1024xf32, #tpu.memory_space<vmem>> -> memref<4x8x1024xf32, #tpu.memory_space<vmem>>
        %parallel_loop3A_1089 = arith.constant 0 : i32
        %parallel_loop3A_1090 = arith.constant 0 : i32
        %parallel_loop3A_1091 = tpu.memref_slice %parallel_loop3A_1088[%parallel_loop3A_1083, %parallel_loop3A_1089, %parallel_loop3A_1090] : memref<4x8x1024xf32, #tpu.memory_space<vmem>> -> memref<1x8x1024xf32, #tpu.memory_space<vmem>>
        %parallel_loop3A_1092 = tpu.memref_squeeze %parallel_loop3A_1091 : memref<1x8x1024xf32, #tpu.memory_space<vmem>> -> memref<8x1024xf32, #tpu.memory_space<vmem>>
        %parallel_loop3A_1093 = arith.constant 0 : i32
        %parallel_loop3A_1094 = tpu.memref_slice %parallel_loop3A_1092[%parallel_loop3A_1023, %parallel_loop3A_1093] : memref<8x1024xf32, #tpu.memory_space<vmem>> -> memref<1x1024xf32, #tpu.memory_space<vmem>>
        %parallel_loop3A_1095 = tpu.memref_squeeze %parallel_loop3A_1094 : memref<1x1024xf32, #tpu.memory_space<vmem>> -> memref<1024xf32, #tpu.memory_space<vmem>>
        %parallel_loop3A_1096 = arith.index_cast %parallel_loop3A_1026 : i32 to index
        %parallel_loop3A_1097 = tpu.vector_load %parallel_loop3A_1095[%parallel_loop3A_1096] {strides = array<i32>} : memref<1024xf32, #tpu.memory_space<vmem>>, vector<16xf32>,
        %parallel_loop3A_1098 = vector.shape_cast %parallel_loop3A_1097 : vector<16xf32> to vector<16xf32>
        %parallel_loop3A_1099 = vector.shape_cast %parallel_loop3A_1031 : vector<16xf32> to vector<16xf32>
        tpu.vector_store %parallel_loop3A_1095[%parallel_loop3A_1096], %parallel_loop3A_1099 {add = true, strides = array<i32>} : memref<1024xf32, #tpu.memory_space<vmem>>, vector<16xf32>,
      } {sc.loop_unroll_factor = 4 : i64, sc.parallel_access}
      %add3A_779 = arith.addi %mul3A_2, %scan3A_651 : i32
      %and3A_780 = arith.constant 2047 : i32
      %and3A_781 = arith.andi %add3A_779, %and3A_780 : i32
      %jit3A_782 = arith.constant 4 : i32
      %div3A_783 = arith.divsi %and3A_781, %jit3A_782 : i32
      %sign3A_784 = arith.constant 0 : i32
      %sign3A_785 = arith.cmpi sgt, %and3A_781, %sign3A_784 : i32
      %sign3A_786 = arith.extui %sign3A_785 : i1 to i32
      %sign3A_787 = arith.constant 0 : i32
      %sign3A_788 = arith.cmpi slt, %and3A_781, %sign3A_787 : i32
      %sign3A_789 = arith.extui %sign3A_788 : i1 to i32
      %sign3A_790 = arith.subi %sign3A_786, %sign3A_789 : i32
      %sign3A_791 = arith.constant 0 : i32
      %sign3A_792 = arith.cmpi sgt, %jit3A_782, %sign3A_791 : i32
      %sign3A_793 = arith.extui %sign3A_792 : i1 to i32
      %sign3A_794 = arith.constant 0 : i32
      %sign3A_795 = arith.cmpi slt, %jit3A_782, %sign3A_794 : i32
      %sign3A_796 = arith.extui %sign3A_795 : i1 to i32
      %sign3A_797 = arith.subi %sign3A_793, %sign3A_796 : i32
      %ne3A_798 = arith.cmpi ne, %sign3A_790, %sign3A_797 : i32
      %rem3A_799 = arith.remsi %and3A_781, %jit3A_782 : i32
      %ne3A_800 = arith.constant 0 : i32
      %ne3A_801 = arith.cmpi ne, %rem3A_799, %ne3A_800 : i32
      %and3A_802 = arith.andi %ne3A_798, %ne3A_801 : i1
      %sub3A_803 = arith.constant 1 : i32
      %sub3A_804 = arith.subi %div3A_783, %sub3A_803 : i32
      %select_n3A_805 = arith.select %and3A_802, %sub3A_804, %div3A_783 : i32
      %mul3A_806 = arith.constant 8 : i32
      %mul3A_807 = arith.muli %select_n3A_805, %mul3A_806 : i32
      %jit3A_808 = arith.constant 4 : i32
      %eq3A_809 = arith.constant 0 : i32
      %eq3A_810 = arith.cmpi eq, %jit3A_808, %eq3A_809 : i32
      %jit3A_811 = arith.constant 1 : i32
      %select_n3A_812 = arith.select %eq3A_810, %jit3A_811, %jit3A_808 : i32
      %rem3A_813 = arith.remsi %and3A_781, %select_n3A_812 : i32
      %ne3A_814 = arith.constant 0 : i32
      %ne3A_815 = arith.cmpi ne, %rem3A_813, %ne3A_814 : i32
      %lt3A_816 = arith.constant 0 : i32
      %lt3A_817 = arith.cmpi slt, %rem3A_813, %lt3A_816 : i32
      %lt3A_818 = arith.constant 0 : i32
      %lt3A_819 = arith.cmpi slt, %select_n3A_812, %lt3A_818 : i32
      %ne3A_820 = arith.xori %lt3A_817, %lt3A_819 : i1
      %and3A_821 = arith.andi %ne3A_820, %ne3A_815 : i1
      %add3A_822 = arith.addi %rem3A_813, %select_n3A_812 : i32
      %select_n3A_823 = arith.select %and3A_821, %add3A_822, %rem3A_813 : i32
      %mul3A_824 = arith.constant 1024 : i32
      %mul3A_825 = arith.muli %select_n3A_823, %mul3A_824 : i32
      %dma_start3A_826 = arith.constant 0 : i32
      %dma_start3A_827 = arith.constant 0 : i32
      %dma_start3A_828 = arith.constant 0 : i32
      %dma_start3A_829 = arith.constant 0 : i32
      %dma_start3A_830 = tpu.memref_slice %arg5[%rem3A_653, %dma_start3A_826, %dma_start3A_828, %dma_start3A_829] : memref<3x4x8x1024xf32, #tpu.memory_space<vmem>> -> memref<1x1x8x1024xf32, #tpu.memory_space<vmem>>
      %dma_start3A_831 = tpu.memref_squeeze %dma_start3A_830 : memref<1x1x8x1024xf32, #tpu.memory_space<vmem>> -> memref<8x1024xf32, #tpu.memory_space<vmem>>
      %dma_start3A_832 = tpu.memref_slice %arg4[%dma_start3A_827, %mul3A_807, %mul3A_825] : memref<4x4096x4096xf32, #tpu.memory_space<hbm>> -> memref<1x8x1024xf32, #tpu.memory_space<hbm>>
      %dma_start3A_833 = tpu.memref_squeeze %dma_start3A_832 : memref<1x8x1024xf32, #tpu.memory_space<hbm>> -> memref<8x1024xf32, #tpu.memory_space<hbm>>
      %dma_start3A_834 = tpu.memref_slice %arg9[%rem3A_653] : memref<3x!tpu.dma_semaphore, #tpu.memory_space<semaphore_mem>> -> memref<1x!tpu.dma_semaphore, #tpu.memory_space<semaphore_mem>>
      %dma_start3A_835 = tpu.memref_squeeze %dma_start3A_834 : memref<1x!tpu.dma_semaphore, #tpu.memory_space<semaphore_mem>> -> memref<!tpu.dma_semaphore, #tpu.memory_space<semaphore_mem>>
      %dma_start3A_836 = tpu.memref_slice %arg4[%dma_start3A_827, %mul3A_807, %mul3A_825] : memref<4x4096x4096xf32, #tpu.memory_space<hbm>> -> memref<1x8x1024xf32, #tpu.memory_space<hbm>>
      %dma_start3A_837 = tpu.memref_squeeze %dma_start3A_836 : memref<1x8x1024xf32, #tpu.memory_space<hbm>> -> memref<8x1024xf32, #tpu.memory_space<hbm>>
      %dma_start3A_838 = arith.constant 0 : i32
      %dma_start3A_839 = arith.constant 0 : i32
      %dma_start3A_840 = tpu.memref_slice %arg5[%rem3A_653, %dma_start3A_826, %dma_start3A_838, %dma_start3A_839] : memref<3x4x8x1024xf32, #tpu.memory_space<vmem>> -> memref<1x1x8x1024xf32, #tpu.memory_space<vmem>>
      %dma_start3A_841 = tpu.memref_squeeze %dma_start3A_840 : memref<1x1x8x1024xf32, #tpu.memory_space<vmem>> -> memref<8x1024xf32, #tpu.memory_space<vmem>>
      tpu.enqueue_dma source(%dma_start3A_841 : memref<8x1024xf32, #tpu.memory_space<vmem>>) target(%dma_start3A_837 : memref<8x1024xf32, #tpu.memory_space<hbm>>) target_semaphore(%dma_start3A_835 : memref<!tpu.dma_semaphore, #tpu.memory_space<semaphore_mem>>)
      %dma_start3A_842 = arith.constant 1 : i32
      %dma_start3A_843 = arith.constant 1 : i32
      %dma_start3A_844 = arith.constant 0 : i32
      %dma_start3A_845 = arith.constant 0 : i32
      %dma_start3A_846 = tpu.memref_slice %arg5[%rem3A_653, %dma_start3A_842, %dma_start3A_844, %dma_start3A_845] : memref<3x4x8x1024xf32, #tpu.memory_space<vmem>> -> memref<1x1x8x1024xf32, #tpu.memory_space<vmem>>
      %dma_start3A_847 = tpu.memref_squeeze %dma_start3A_846 : memref<1x1x8x1024xf32, #tpu.memory_space<vmem>> -> memref<8x1024xf32, #tpu.memory_space<vmem>>
      %dma_start3A_848 = tpu.memref_slice %arg4[%dma_start3A_843, %mul3A_807, %mul3A_825] : memref<4x4096x4096xf32, #tpu.memory_space<hbm>> -> memref<1x8x1024xf32, #tpu.memory_space<hbm>>
      %dma_start3A_849 = tpu.memref_squeeze %dma_start3A_848 : memref<1x8x1024xf32, #tpu.memory_space<hbm>> -> memref<8x1024xf32, #tpu.memory_space<hbm>>
      %dma_start3A_850 = tpu.memref_slice %arg9[%rem3A_653] : memref<3x!tpu.dma_semaphore, #tpu.memory_space<semaphore_mem>> -> memref<1x!tpu.dma_semaphore, #tpu.memory_space<semaphore_mem>>
      %dma_start3A_851 = tpu.memref_squeeze %dma_start3A_850 : memref<1x!tpu.dma_semaphore, #tpu.memory_space<semaphore_mem>> -> memref<!tpu.dma_semaphore, #tpu.memory_space<semaphore_mem>>
      %dma_start3A_852 = tpu.memref_slice %arg4[%dma_start3A_843, %mul3A_807, %mul3A_825] : memref<4x4096x4096xf32, #tpu.memory_space<hbm>> -> memref<1x8x1024xf32, #tpu.memory_space<hbm>>
      %dma_start3A_853 = tpu.memref_squeeze %dma_start3A_852 : memref<1x8x1024xf32, #tpu.memory_space<hbm>> -> memref<8x1024xf32, #tpu.memory_space<hbm>>
      %dma_start3A_854 = arith.constant 0 : i32
      %dma_start3A_855 = arith.constant 0 : i32
      %dma_start3A_856 = tpu.memref_slice %arg5[%rem3A_653, %dma_start3A_842, %dma_start3A_854, %dma_start3A_855] : memref<3x4x8x1024xf32, #tpu.memory_space<vmem>> -> memref<1x1x8x1024xf32, #tpu.memory_space<vmem>>
      %dma_start3A_857 = tpu.memref_squeeze %dma_start3A_856 : memref<1x1x8x1024xf32, #tpu.memory_space<vmem>> -> memref<8x1024xf32, #tpu.memory_space<vmem>>
      tpu.enqueue_dma source(%dma_start3A_857 : memref<8x1024xf32, #tpu.memory_space<vmem>>) target(%dma_start3A_853 : memref<8x1024xf32, #tpu.memory_space<hbm>>) target_semaphore(%dma_start3A_851 : memref<!tpu.dma_semaphore, #tpu.memory_space<semaphore_mem>>)
      %dma_start3A_858 = arith.constant 2 : i32
      %dma_start3A_859 = arith.constant 2 : i32
      %dma_start3A_860 = arith.constant 0 : i32
      %dma_start3A_861 = arith.constant 0 : i32
      %dma_start3A_862 = tpu.memref_slice %arg5[%rem3A_653, %dma_start3A_858, %dma_start3A_860, %dma_start3A_861] : memref<3x4x8x1024xf32, #tpu.memory_space<vmem>> -> memref<1x1x8x1024xf32, #tpu.memory_space<vmem>>
      %dma_start3A_863 = tpu.memref_squeeze %dma_start3A_862 : memref<1x1x8x1024xf32, #tpu.memory_space<vmem>> -> memref<8x1024xf32, #tpu.memory_space<vmem>>
      %dma_start3A_864 = tpu.memref_slice %arg4[%dma_start3A_859, %mul3A_807, %mul3A_825] : memref<4x4096x4096xf32, #tpu.memory_space<hbm>> -> memref<1x8x1024xf32, #tpu.memory_space<hbm>>
      %dma_start3A_865 = tpu.memref_squeeze %dma_start3A_864 : memref<1x8x1024xf32, #tpu.memory_space<hbm>> -> memref<8x1024xf32, #tpu.memory_space<hbm>>
      %dma_start3A_866 = tpu.memref_slice %arg9[%rem3A_653] : memref<3x!tpu.dma_semaphore, #tpu.memory_space<semaphore_mem>> -> memref<1x!tpu.dma_semaphore, #tpu.memory_space<semaphore_mem>>
      %dma_start3A_867 = tpu.memref_squeeze %dma_start3A_866 : memref<1x!tpu.dma_semaphore, #tpu.memory_space<semaphore_mem>> -> memref<!tpu.dma_semaphore, #tpu.memory_space<semaphore_mem>>
      %dma_start3A_868 = tpu.memref_slice %arg4[%dma_start3A_859, %mul3A_807, %mul3A_825] : memref<4x4096x4096xf32, #tpu.memory_space<hbm>> -> memref<1x8x1024xf32, #tpu.memory_space<hbm>>
      %dma_start3A_869 = tpu.memref_squeeze %dma_start3A_868 : memref<1x8x1024xf32, #tpu.memory_space<hbm>> -> memref<8x1024xf32, #tpu.memory_space<hbm>>
      %dma_start3A_870 = arith.constant 0 : i32
      %dma_start3A_871 = arith.constant 0 : i32
      %dma_start3A_872 = tpu.memref_slice %arg5[%rem3A_653, %dma_start3A_858, %dma_start3A_870, %dma_start3A_871] : memref<3x4x8x1024xf32, #tpu.memory_space<vmem>> -> memref<1x1x8x1024xf32, #tpu.memory_space<vmem>>
      %dma_start3A_873 = tpu.memref_squeeze %dma_start3A_872 : memref<1x1x8x1024xf32, #tpu.memory_space<vmem>> -> memref<8x1024xf32, #tpu.memory_space<vmem>>
      tpu.enqueue_dma source(%dma_start3A_873 : memref<8x1024xf32, #tpu.memory_space<vmem>>) target(%dma_start3A_869 : memref<8x1024xf32, #tpu.memory_space<hbm>>) target_semaphore(%dma_start3A_867 : memref<!tpu.dma_semaphore, #tpu.memory_space<semaphore_mem>>)
      %dma_start3A_874 = arith.constant 3 : i32
      %dma_start3A_875 = arith.constant 3 : i32
      %dma_start3A_876 = arith.constant 0 : i32
      %dma_start3A_877 = arith.constant 0 : i32
      %dma_start3A_878 = tpu.memref_slice %arg5[%rem3A_653, %dma_start3A_874, %dma_start3A_876, %dma_start3A_877] : memref<3x4x8x1024xf32, #tpu.memory_space<vmem>> -> memref<1x1x8x1024xf32, #tpu.memory_space<vmem>>
      %dma_start3A_879 = tpu.memref_squeeze %dma_start3A_878 : memref<1x1x8x1024xf32, #tpu.memory_space<vmem>> -> memref<8x1024xf32, #tpu.memory_space<vmem>>
      %dma_start3A_880 = tpu.memref_slice %arg4[%dma_start3A_875, %mul3A_807, %mul3A_825] : memref<4x4096x4096xf32, #tpu.memory_space<hbm>> -> memref<1x8x1024xf32, #tpu.memory_space<hbm>>
      %dma_start3A_881 = tpu.memref_squeeze %dma_start3A_880 : memref<1x8x1024xf32, #tpu.memory_space<hbm>> -> memref<8x1024xf32, #tpu.memory_space<hbm>>
      %dma_start3A_882 = tpu.memref_slice %arg9[%rem3A_653] : memref<3x!tpu.dma_semaphore, #tpu.memory_space<semaphore_mem>> -> memref<1x!tpu.dma_semaphore, #tpu.memory_space<semaphore_mem>>
      %dma_start3A_883 = tpu.memref_squeeze %dma_start3A_882 : memref<1x!tpu.dma_semaphore, #tpu.memory_space<semaphore_mem>> -> memref<!tpu.dma_semaphore, #tpu.memory_space<semaphore_mem>>
      %dma_start3A_884 = tpu.memref_slice %arg4[%dma_start3A_875, %mul3A_807, %mul3A_825] : memref<4x4096x4096xf32, #tpu.memory_space<hbm>> -> memref<1x8x1024xf32, #tpu.memory_space<hbm>>
      %dma_start3A_885 = tpu.memref_squeeze %dma_start3A_884 : memref<1x8x1024xf32, #tpu.memory_space<hbm>> -> memref<8x1024xf32, #tpu.memory_space<hbm>>
      %dma_start3A_886 = arith.constant 0 : i32
      %dma_start3A_887 = arith.constant 0 : i32
      %dma_start3A_888 = tpu.memref_slice %arg5[%rem3A_653, %dma_start3A_874, %dma_start3A_886, %dma_start3A_887] : memref<3x4x8x1024xf32, #tpu.memory_space<vmem>> -> memref<1x1x8x1024xf32, #tpu.memory_space<vmem>>
      %dma_start3A_889 = tpu.memref_squeeze %dma_start3A_888 : memref<1x1x8x1024xf32, #tpu.memory_space<vmem>> -> memref<8x1024xf32, #tpu.memory_space<vmem>>
      tpu.enqueue_dma source(%dma_start3A_889 : memref<8x1024xf32, #tpu.memory_space<vmem>>) target(%dma_start3A_885 : memref<8x1024xf32, #tpu.memory_space<hbm>>) target_semaphore(%dma_start3A_883 : memref<!tpu.dma_semaphore, #tpu.memory_space<semaphore_mem>>)
      %add3A_890 = arith.constant 2 : i32
      %add3A_891 = arith.addi %scan3A_651, %add3A_890 : i32
      %rem3A_892 = arith.constant 3 : i32
      %rem3A_893 = arith.remsi %add3A_891, %rem3A_892 : i32
      %ge3A = arith.constant 1 : i32
      %ge3A_894 = arith.cmpi sge, %scan3A_651, %ge3A : i32
      %convert_element_type3A = arith.extui %ge3A_894 : i1 to i32
      %cond3A = arith.constant 0 : i32
      %cond3A_895 = arith.cmpi ne, %convert_element_type3A, %cond3A : i32
      scf.if %cond3A_895 {
        %sub3A_1021 = arith.constant 1 : i32
        %sub3A_1022 = arith.subi %scan3A_651, %sub3A_1021 : i32
        %add3A_1023 = arith.addi %mul3A_2, %sub3A_1022 : i32
        %and3A_1024 = arith.constant 2047 : i32
        %and3A_1025 = arith.andi %add3A_1023, %and3A_1024 : i32
        %jit3A_1026 = arith.constant 4 : i32
        %div3A_1027 = arith.divsi %and3A_1025, %jit3A_1026 : i32
        %sign3A_1028 = arith.constant 0 : i32
        %sign3A_1029 = arith.cmpi sgt, %and3A_1025, %sign3A_1028 : i32
        %sign3A_1030 = arith.extui %sign3A_1029 : i1 to i32
        %sign3A_1031 = arith.constant 0 : i32
        %sign3A_1032 = arith.cmpi slt, %and3A_1025, %sign3A_1031 : i32
        %sign3A_1033 = arith.extui %sign3A_1032 : i1 to i32
        %sign3A_1034 = arith.subi %sign3A_1030, %sign3A_1033 : i32
        %sign3A_1035 = arith.constant 0 : i32
        %sign3A_1036 = arith.cmpi sgt, %jit3A_1026, %sign3A_1035 : i32
        %sign3A_1037 = arith.extui %sign3A_1036 : i1 to i32
        %sign3A_1038 = arith.constant 0 : i32
        %sign3A_1039 = arith.cmpi slt, %jit3A_1026, %sign3A_1038 : i32
        %sign3A_1040 = arith.extui %sign3A_1039 : i1 to i32
        %sign3A_1041 = arith.subi %sign3A_1037, %sign3A_1040 : i32
        %ne3A_1042 = arith.cmpi ne, %sign3A_1034, %sign3A_1041 : i32
        %rem3A_1043 = arith.remsi %and3A_1025, %jit3A_1026 : i32
        %ne3A_1044 = arith.constant 0 : i32
        %ne3A_1045 = arith.cmpi ne, %rem3A_1043, %ne3A_1044 : i32
        %and3A_1046 = arith.andi %ne3A_1042, %ne3A_1045 : i1
        %sub3A_1047 = arith.constant 1 : i32
        %sub3A_1048 = arith.subi %div3A_1027, %sub3A_1047 : i32
        %select_n3A_1049 = arith.select %and3A_1046, %sub3A_1048, %div3A_1027 : i32
        %mul3A_1050 = arith.constant 8 : i32
        %mul3A_1051 = arith.muli %select_n3A_1049, %mul3A_1050 : i32
        %jit3A_1052 = arith.constant 4 : i32
        %eq3A_1053 = arith.constant 0 : i32
        %eq3A_1054 = arith.cmpi eq, %jit3A_1052, %eq3A_1053 : i32
        %jit3A_1055 = arith.constant 1 : i32
        %select_n3A_1056 = arith.select %eq3A_1054, %jit3A_1055, %jit3A_1052 : i32
        %rem3A_1057 = arith.remsi %and3A_1025, %select_n3A_1056 : i32
        %ne3A_1058 = arith.constant 0 : i32
        %ne3A_1059 = arith.cmpi ne, %rem3A_1057, %ne3A_1058 : i32
        %lt3A_1060 = arith.constant 0 : i32
        %lt3A_1061 = arith.cmpi slt, %rem3A_1057, %lt3A_1060 : i32
        %lt3A_1062 = arith.constant 0 : i32
        %lt3A_1063 = arith.cmpi slt, %select_n3A_1056, %lt3A_1062 : i32
        %ne3A_1064 = arith.xori %lt3A_1061, %lt3A_1063 : i1
        %and3A_1065 = arith.andi %ne3A_1064, %ne3A_1059 : i1
        %add3A_1066 = arith.addi %rem3A_1057, %select_n3A_1056 : i32
        %select_n3A_1067 = arith.select %and3A_1065, %add3A_1066, %rem3A_1057 : i32
        %mul3A_1068 = arith.constant 1024 : i32
        %mul3A_1069 = arith.muli %select_n3A_1067, %mul3A_1068 : i32
        %dma_wait3A_1070 = arith.constant 0 : i32
        %dma_wait3A_1071 = arith.constant 0 : i32
        %dma_wait3A_1072 = arith.constant 0 : i32
        %dma_wait3A_1073 = arith.constant 0 : i32
        %dma_wait3A_1074 = tpu.memref_slice %arg5[%rem3A_893, %dma_wait3A_1070, %dma_wait3A_1072, %dma_wait3A_1073] : memref<3x4x8x1024xf32, #tpu.memory_space<vmem>> -> memref<1x1x8x1024xf32, #tpu.memory_space<vmem>>
        %dma_wait3A_1075 = tpu.memref_squeeze %dma_wait3A_1074 : memref<1x1x8x1024xf32, #tpu.memory_space<vmem>> -> memref<8x1024xf32, #tpu.memory_space<vmem>>
        %dma_wait3A_1076 = tpu.memref_slice %arg4[%dma_wait3A_1071, %mul3A_1051, %mul3A_1069] : memref<4x4096x4096xf32, #tpu.memory_space<hbm>> -> memref<1x8x1024xf32, #tpu.memory_space<hbm>>
        %dma_wait3A_1077 = tpu.memref_squeeze %dma_wait3A_1076 : memref<1x8x1024xf32, #tpu.memory_space<hbm>> -> memref<8x1024xf32, #tpu.memory_space<hbm>>
        %dma_wait3A_1078 = tpu.memref_slice %arg9[%rem3A_893] : memref<3x!tpu.dma_semaphore, #tpu.memory_space<semaphore_mem>> -> memref<1x!tpu.dma_semaphore, #tpu.memory_space<semaphore_mem>>
        %dma_wait3A_1079 = tpu.memref_squeeze %dma_wait3A_1078 : memref<1x!tpu.dma_semaphore, #tpu.memory_space<semaphore_mem>> -> memref<!tpu.dma_semaphore, #tpu.memory_space<semaphore_mem>>
        %dma_wait3A_1080 = tpu.memref_slice %arg4[%dma_wait3A_1071, %mul3A_1051, %mul3A_1069] : memref<4x4096x4096xf32, #tpu.memory_space<hbm>> -> memref<1x8x1024xf32, #tpu.memory_space<hbm>>
        %dma_wait3A_1081 = tpu.memref_squeeze %dma_wait3A_1080 : memref<1x8x1024xf32, #tpu.memory_space<hbm>> -> memref<8x1024xf32, #tpu.memory_space<hbm>>
        %dma_wait3A_1082 = arith.constant 0 : i32
        %dma_wait3A_1083 = arith.constant 0 : i32
        %dma_wait3A_1084 = tpu.memref_slice %arg5[%rem3A_893, %dma_wait3A_1070, %dma_wait3A_1082, %dma_wait3A_1083] : memref<3x4x8x1024xf32, #tpu.memory_space<vmem>> -> memref<1x1x8x1024xf32, #tpu.memory_space<vmem>>
        %dma_wait3A_1085 = tpu.memref_squeeze %dma_wait3A_1084 : memref<1x1x8x1024xf32, #tpu.memory_space<vmem>> -> memref<8x1024xf32, #tpu.memory_space<vmem>>
        tpu.wait_dma2 semaphore(%dma_wait3A_1079 : memref<!tpu.dma_semaphore, #tpu.memory_space<semaphore_mem>>) src(%dma_wait3A_1085 : memref<8x1024xf32, #tpu.memory_space<vmem>>) dst(%dma_wait3A_1081 : memref<8x1024xf32, #tpu.memory_space<hbm>>)
        %dma_wait3A_1086 = arith.constant 1 : i32
        %dma_wait3A_1087 = arith.constant 1 : i32
        %dma_wait3A_1088 = arith.constant 0 : i32
        %dma_wait3A_1089 = arith.constant 0 : i32
        %dma_wait3A_1090 = tpu.memref_slice %arg5[%rem3A_893, %dma_wait3A_1086, %dma_wait3A_1088, %dma_wait3A_1089] : memref<3x4x8x1024xf32, #tpu.memory_space<vmem>> -> memref<1x1x8x1024xf32, #tpu.memory_space<vmem>>
        %dma_wait3A_1091 = tpu.memref_squeeze %dma_wait3A_1090 : memref<1x1x8x1024xf32, #tpu.memory_space<vmem>> -> memref<8x1024xf32, #tpu.memory_space<vmem>>
        %dma_wait3A_1092 = tpu.memref_slice %arg4[%dma_wait3A_1087, %mul3A_1051, %mul3A_1069] : memref<4x4096x4096xf32, #tpu.memory_space<hbm>> -> memref<1x8x1024xf32, #tpu.memory_space<hbm>>
        %dma_wait3A_1093 = tpu.memref_squeeze %dma_wait3A_1092 : memref<1x8x1024xf32, #tpu.memory_space<hbm>> -> memref<8x1024xf32, #tpu.memory_space<hbm>>
        %dma_wait3A_1094 = tpu.memref_slice %arg9[%rem3A_893] : memref<3x!tpu.dma_semaphore, #tpu.memory_space<semaphore_mem>> -> memref<1x!tpu.dma_semaphore, #tpu.memory_space<semaphore_mem>>
        %dma_wait3A_1095 = tpu.memref_squeeze %dma_wait3A_1094 : memref<1x!tpu.dma_semaphore, #tpu.memory_space<semaphore_mem>> -> memref<!tpu.dma_semaphore, #tpu.memory_space<semaphore_mem>>
        %dma_wait3A_1096 = tpu.memref_slice %arg4[%dma_wait3A_1087, %mul3A_1051, %mul3A_1069] : memref<4x4096x4096xf32, #tpu.memory_space<hbm>> -> memref<1x8x1024xf32, #tpu.memory_space<hbm>>
        %dma_wait3A_1097 = tpu.memref_squeeze %dma_wait3A_1096 : memref<1x8x1024xf32, #tpu.memory_space<hbm>> -> memref<8x1024xf32, #tpu.memory_space<hbm>>
        %dma_wait3A_1098 = arith.constant 0 : i32
        %dma_wait3A_1099 = arith.constant 0 : i32
        %dma_wait3A_1100 = tpu.memref_slice %arg5[%rem3A_893, %dma_wait3A_1086, %dma_wait3A_1098, %dma_wait3A_1099] : memref<3x4x8x1024xf32, #tpu.memory_space<vmem>> -> memref<1x1x8x1024xf32, #tpu.memory_space<vmem>>
        %dma_wait3A_1101 = tpu.memref_squeeze %dma_wait3A_1100 : memref<1x1x8x1024xf32, #tpu.memory_space<vmem>> -> memref<8x1024xf32, #tpu.memory_space<vmem>>
        tpu.wait_dma2 semaphore(%dma_wait3A_1095 : memref<!tpu.dma_semaphore, #tpu.memory_space<semaphore_mem>>) src(%dma_wait3A_1101 : memref<8x1024xf32, #tpu.memory_space<vmem>>) dst(%dma_wait3A_1097 : memref<8x1024xf32, #tpu.memory_space<hbm>>)
        %dma_wait3A_1102 = arith.constant 2 : i32
        %dma_wait3A_1103 = arith.constant 2 : i32
        %dma_wait3A_1104 = arith.constant 0 : i32
        %dma_wait3A_1105 = arith.constant 0 : i32
        %dma_wait3A_1106 = tpu.memref_slice %arg5[%rem3A_893, %dma_wait3A_1102, %dma_wait3A_1104, %dma_wait3A_1105] : memref<3x4x8x1024xf32, #tpu.memory_space<vmem>> -> memref<1x1x8x1024xf32, #tpu.memory_space<vmem>>
        %dma_wait3A_1107 = tpu.memref_squeeze %dma_wait3A_1106 : memref<1x1x8x1024xf32, #tpu.memory_space<vmem>> -> memref<8x1024xf32, #tpu.memory_space<vmem>>
        %dma_wait3A_1108 = tpu.memref_slice %arg4[%dma_wait3A_1103, %mul3A_1051, %mul3A_1069] : memref<4x4096x4096xf32, #tpu.memory_space<hbm>> -> memref<1x8x1024xf32, #tpu.memory_space<hbm>>
        %dma_wait3A_1109 = tpu.memref_squeeze %dma_wait3A_1108 : memref<1x8x1024xf32, #tpu.memory_space<hbm>> -> memref<8x1024xf32, #tpu.memory_space<hbm>>
        %dma_wait3A_1110 = tpu.memref_slice %arg9[%rem3A_893] : memref<3x!tpu.dma_semaphore, #tpu.memory_space<semaphore_mem>> -> memref<1x!tpu.dma_semaphore, #tpu.memory_space<semaphore_mem>>
        %dma_wait3A_1111 = tpu.memref_squeeze %dma_wait3A_1110 : memref<1x!tpu.dma_semaphore, #tpu.memory_space<semaphore_mem>> -> memref<!tpu.dma_semaphore, #tpu.memory_space<semaphore_mem>>
        %dma_wait3A_1112 = tpu.memref_slice %arg4[%dma_wait3A_1103, %mul3A_1051, %mul3A_1069] : memref<4x4096x4096xf32, #tpu.memory_space<hbm>> -> memref<1x8x1024xf32, #tpu.memory_space<hbm>>
        %dma_wait3A_1113 = tpu.memref_squeeze %dma_wait3A_1112 : memref<1x8x1024xf32, #tpu.memory_space<hbm>> -> memref<8x1024xf32, #tpu.memory_space<hbm>>
        %dma_wait3A_1114 = arith.constant 0 : i32
        %dma_wait3A_1115 = arith.constant 0 : i32
        %dma_wait3A_1116 = tpu.memref_slice %arg5[%rem3A_893, %dma_wait3A_1102, %dma_wait3A_1114, %dma_wait3A_1115] : memref<3x4x8x1024xf32, #tpu.memory_space<vmem>> -> memref<1x1x8x1024xf32, #tpu.memory_space<vmem>>
        %dma_wait3A_1117 = tpu.memref_squeeze %dma_wait3A_1116 : memref<1x1x8x1024xf32, #tpu.memory_space<vmem>> -> memref<8x1024xf32, #tpu.memory_space<vmem>>
        tpu.wait_dma2 semaphore(%dma_wait3A_1111 : memref<!tpu.dma_semaphore, #tpu.memory_space<semaphore_mem>>) src(%dma_wait3A_1117 : memref<8x1024xf32, #tpu.memory_space<vmem>>) dst(%dma_wait3A_1113 : memref<8x1024xf32, #tpu.memory_space<hbm>>)
        %dma_wait3A_1118 = arith.constant 3 : i32
        %dma_wait3A_1119 = arith.constant 3 : i32
        %dma_wait3A_1120 = arith.constant 0 : i32
        %dma_wait3A_1121 = arith.constant 0 : i32
        %dma_wait3A_1122 = tpu.memref_slice %arg5[%rem3A_893, %dma_wait3A_1118, %dma_wait3A_1120, %dma_wait3A_1121] : memref<3x4x8x1024xf32, #tpu.memory_space<vmem>> -> memref<1x1x8x1024xf32, #tpu.memory_space<vmem>>
        %dma_wait3A_1123 = tpu.memref_squeeze %dma_wait3A_1122 : memref<1x1x8x1024xf32, #tpu.memory_space<vmem>> -> memref<8x1024xf32, #tpu.memory_space<vmem>>
        %dma_wait3A_1124 = tpu.memref_slice %arg4[%dma_wait3A_1119, %mul3A_1051, %mul3A_1069] : memref<4x4096x4096xf32, #tpu.memory_space<hbm>> -> memref<1x8x1024xf32, #tpu.memory_space<hbm>>
        %dma_wait3A_1125 = tpu.memref_squeeze %dma_wait3A_1124 : memref<1x8x1024xf32, #tpu.memory_space<hbm>> -> memref<8x1024xf32, #tpu.memory_space<hbm>>
        %dma_wait3A_1126 = tpu.memref_slice %arg9[%rem3A_893] : memref<3x!tpu.dma_semaphore, #tpu.memory_space<semaphore_mem>> -> memref<1x!tpu.dma_semaphore, #tpu.memory_space<semaphore_mem>>
        %dma_wait3A_1127 = tpu.memref_squeeze %dma_wait3A_1126 : memref<1x!tpu.dma_semaphore, #tpu.memory_space<semaphore_mem>> -> memref<!tpu.dma_semaphore, #tpu.memory_space<semaphore_mem>>
        %dma_wait3A_1128 = tpu.memref_slice %arg4[%dma_wait3A_1119, %mul3A_1051, %mul3A_1069] : memref<4x4096x4096xf32, #tpu.memory_space<hbm>> -> memref<1x8x1024xf32, #tpu.memory_space<hbm>>
        %dma_wait3A_1129 = tpu.memref_squeeze %dma_wait3A_1128 : memref<1x8x1024xf32, #tpu.memory_space<hbm>> -> memref<8x1024xf32, #tpu.memory_space<hbm>>
        %dma_wait3A_1130 = arith.constant 0 : i32
        %dma_wait3A_1131 = arith.constant 0 : i32
        %dma_wait3A_1132 = tpu.memref_slice %arg5[%rem3A_893, %dma_wait3A_1118, %dma_wait3A_1130, %dma_wait3A_1131] : memref<3x4x8x1024xf32, #tpu.memory_space<vmem>> -> memref<1x1x8x1024xf32, #tpu.memory_space<vmem>>
        %dma_wait3A_1133 = tpu.memref_squeeze %dma_wait3A_1132 : memref<1x1x8x1024xf32, #tpu.memory_space<vmem>> -> memref<8x1024xf32, #tpu.memory_space<vmem>>
        tpu.wait_dma2 semaphore(%dma_wait3A_1127 : memref<!tpu.dma_semaphore, #tpu.memory_space<semaphore_mem>>) src(%dma_wait3A_1133 : memref<8x1024xf32, #tpu.memory_space<vmem>>) dst(%dma_wait3A_1129 : memref<8x1024xf32, #tpu.memory_space<hbm>>)
      } else {
      }
      %add3A_896 = arith.constant 2 : i32
      %add3A_897 = arith.addi %scan3A_651, %add3A_896 : i32
      %add3A_898 = arith.addi %mul3A_2, %add3A_897 : i32
      %and3A_899 = arith.constant 2047 : i32
      %and3A_900 = arith.andi %add3A_898, %and3A_899 : i32
      %jit3A_901 = arith.constant 4 : i32
      %div3A_902 = arith.divsi %and3A_900, %jit3A_901 : i32
      %sign3A_903 = arith.constant 0 : i32
      %sign3A_904 = arith.cmpi sgt, %and3A_900, %sign3A_903 : i32
      %sign3A_905 = arith.extui %sign3A_904 : i1 to i32
      %sign3A_906 = arith.constant 0 : i32
      %sign3A_907 = arith.cmpi slt, %and3A_900, %sign3A_906 : i32
      %sign3A_908 = arith.extui %sign3A_907 : i1 to i32
      %sign3A_909 = arith.subi %sign3A_905, %sign3A_908 : i32
      %sign3A_910 = arith.constant 0 : i32
      %sign3A_911 = arith.cmpi sgt, %jit3A_901, %sign3A_910 : i32
      %sign3A_912 = arith.extui %sign3A_911 : i1 to i32
      %sign3A_913 = arith.constant 0 : i32
      %sign3A_914 = arith.cmpi slt, %jit3A_901, %sign3A_913 : i32
      %sign3A_915 = arith.extui %sign3A_914 : i1 to i32
      %sign3A_916 = arith.subi %sign3A_912, %sign3A_915 : i32
      %ne3A_917 = arith.cmpi ne, %sign3A_909, %sign3A_916 : i32
      %rem3A_918 = arith.remsi %and3A_900, %jit3A_901 : i32
      %ne3A_919 = arith.constant 0 : i32
      %ne3A_920 = arith.cmpi ne, %rem3A_918, %ne3A_919 : i32
      %and3A_921 = arith.andi %ne3A_917, %ne3A_920 : i1
      %sub3A_922 = arith.constant 1 : i32
      %sub3A_923 = arith.subi %div3A_902, %sub3A_922 : i32
      %select_n3A_924 = arith.select %and3A_921, %sub3A_923, %div3A_902 : i32
      %mul3A_925 = arith.constant 8 : i32
      %mul3A_926 = arith.muli %select_n3A_924, %mul3A_925 : i32
      %jit3A_927 = arith.constant 4 : i32
      %eq3A_928 = arith.constant 0 : i32
      %eq3A_929 = arith.cmpi eq, %jit3A_927, %eq3A_928 : i32
      %jit3A_930 = arith.constant 1 : i32
      %select_n3A_931 = arith.select %eq3A_929, %jit3A_930, %jit3A_927 : i32
      %rem3A_932 = arith.remsi %and3A_900, %select_n3A_931 : i32
      %ne3A_933 = arith.constant 0 : i32
      %ne3A_934 = arith.cmpi ne, %rem3A_932, %ne3A_933 : i32
      %lt3A_935 = arith.constant 0 : i32
      %lt3A_936 = arith.cmpi slt, %rem3A_932, %lt3A_935 : i32
      %lt3A_937 = arith.constant 0 : i32
      %lt3A_938 = arith.cmpi slt, %select_n3A_931, %lt3A_937 : i32
      %ne3A_939 = arith.xori %lt3A_936, %lt3A_938 : i1
      %and3A_940 = arith.andi %ne3A_939, %ne3A_934 : i1
      %add3A_941 = arith.addi %rem3A_932, %select_n3A_931 : i32
      %select_n3A_942 = arith.select %and3A_940, %add3A_941, %rem3A_932 : i32
      %mul3A_943 = arith.constant 1024 : i32
      %mul3A_944 = arith.muli %select_n3A_942, %mul3A_943 : i32
      %dma_start3A_945 = arith.constant 0 : i32
      %dma_start3A_946 = arith.constant 0 : i32
      %dma_start3A_947 = tpu.memref_slice %arg6[%rem3A_893, %dma_start3A_945, %dma_start3A_946] : memref<3x8x1024xf32, #tpu.memory_space<vmem>> -> memref<1x8x1024xf32, #tpu.memory_space<vmem>>
      %dma_start3A_948 = tpu.memref_squeeze %dma_start3A_947 : memref<1x8x1024xf32, #tpu.memory_space<vmem>> -> memref<8x1024xf32, #tpu.memory_space<vmem>>
      %dma_start3A_949 = tpu.memref_slice %arg3[%mul3A_926, %mul3A_944] : memref<8192x4096xf32, #tpu.memory_space<hbm>> -> memref<8x1024xf32, #tpu.memory_space<hbm>>
      %dma_start3A_950 = tpu.memref_slice %arg8[%rem3A_893] : memref<3x!tpu.dma_semaphore, #tpu.memory_space<semaphore_mem>> -> memref<1x!tpu.dma_semaphore, #tpu.memory_space<semaphore_mem>>
      %dma_start3A_951 = tpu.memref_squeeze %dma_start3A_950 : memref<1x!tpu.dma_semaphore, #tpu.memory_space<semaphore_mem>> -> memref<!tpu.dma_semaphore, #tpu.memory_space<semaphore_mem>>
      %dma_start3A_952 = arith.constant 0 : i32
      %dma_start3A_953 = arith.constant 0 : i32
      %dma_start3A_954 = tpu.memref_slice %arg6[%rem3A_893, %dma_start3A_952, %dma_start3A_953] : memref<3x8x1024xf32, #tpu.memory_space<vmem>> -> memref<1x8x1024xf32, #tpu.memory_space<vmem>>
      %dma_start3A_955 = tpu.memref_squeeze %dma_start3A_954 : memref<1x8x1024xf32, #tpu.memory_space<vmem>> -> memref<8x1024xf32, #tpu.memory_space<vmem>>
      %dma_start3A_956 = tpu.memref_slice %arg3[%mul3A_926, %mul3A_944] : memref<8192x4096xf32, #tpu.memory_space<hbm>> -> memref<8x1024xf32, #tpu.memory_space<hbm>>
      tpu.enqueue_dma source(%dma_start3A_956 : memref<8x1024xf32, #tpu.memory_space<hbm>>) target(%dma_start3A_955 : memref<8x1024xf32, #tpu.memory_space<vmem>>) target_semaphore(%dma_start3A_951 : memref<!tpu.dma_semaphore, #tpu.memory_space<semaphore_mem>>)
      %dma_start3A_957 = arith.constant 0 : i32
      %dma_start3A_958 = arith.constant 0 : i32
      %dma_start3A_959 = arith.constant 0 : i32
      %dma_start3A_960 = arith.constant 0 : i32
      %dma_start3A_961 = tpu.memref_slice %arg5[%rem3A_893, %dma_start3A_958, %dma_start3A_959, %dma_start3A_960] : memref<3x4x8x1024xf32, #tpu.memory_space<vmem>> -> memref<1x1x8x1024xf32, #tpu.memory_space<vmem>>
      %dma_start3A_962 = tpu.memref_squeeze %dma_start3A_961 : memref<1x1x8x1024xf32, #tpu.memory_space<vmem>> -> memref<8x1024xf32, #tpu.memory_space<vmem>>
      %dma_start3A_963 = tpu.memref_slice %arg2[%dma_start3A_957, %mul3A_926, %mul3A_944] : memref<4x4096x4096xf32, #tpu.memory_space<hbm>> -> memref<1x8x1024xf32, #tpu.memory_space<hbm>>
      %dma_start3A_964 = tpu.memref_squeeze %dma_start3A_963 : memref<1x8x1024xf32, #tpu.memory_space<hbm>> -> memref<8x1024xf32, #tpu.memory_space<hbm>>
      %dma_start3A_965 = tpu.memref_slice %arg7[%rem3A_893] : memref<3x!tpu.dma_semaphore, #tpu.memory_space<semaphore_mem>> -> memref<1x!tpu.dma_semaphore, #tpu.memory_space<semaphore_mem>>
      %dma_start3A_966 = tpu.memref_squeeze %dma_start3A_965 : memref<1x!tpu.dma_semaphore, #tpu.memory_space<semaphore_mem>> -> memref<!tpu.dma_semaphore, #tpu.memory_space<semaphore_mem>>
      %dma_start3A_967 = arith.constant 0 : i32
      %dma_start3A_968 = arith.constant 0 : i32
      %dma_start3A_969 = tpu.memref_slice %arg5[%rem3A_893, %dma_start3A_958, %dma_start3A_967, %dma_start3A_968] : memref<3x4x8x1024xf32, #tpu.memory_space<vmem>> -> memref<1x1x8x1024xf32, #tpu.memory_space<vmem>>
      %dma_start3A_970 = tpu.memref_squeeze %dma_start3A_969 : memref<1x1x8x1024xf32, #tpu.memory_space<vmem>> -> memref<8x1024xf32, #tpu.memory_space<vmem>>
      %dma_start3A_971 = tpu.memref_slice %arg2[%dma_start3A_957, %mul3A_926, %mul3A_944] : memref<4x4096x4096xf32, #tpu.memory_space<hbm>> -> memref<1x8x1024xf32, #tpu.memory_space<hbm>>
      %dma_start3A_972 = tpu.memref_squeeze %dma_start3A_971 : memref<1x8x1024xf32, #tpu.memory_space<hbm>> -> memref<8x1024xf32, #tpu.memory_space<hbm>>
      tpu.enqueue_dma source(%dma_start3A_972 : memref<8x1024xf32, #tpu.memory_space<hbm>>) target(%dma_start3A_970 : memref<8x1024xf32, #tpu.memory_space<vmem>>) target_semaphore(%dma_start3A_966 : memref<!tpu.dma_semaphore, #tpu.memory_space<semaphore_mem>>)
      %dma_start3A_973 = arith.constant 1 : i32
      %dma_start3A_974 = arith.constant 1 : i32
      %dma_start3A_975 = arith.constant 0 : i32
      %dma_start3A_976 = arith.constant 0 : i32
      %dma_start3A_977 = tpu.memref_slice %arg5[%rem3A_893, %dma_start3A_974, %dma_start3A_975, %dma_start3A_976] : memref<3x4x8x1024xf32, #tpu.memory_space<vmem>> -> memref<1x1x8x1024xf32, #tpu.memory_space<vmem>>
      %dma_start3A_978 = tpu.memref_squeeze %dma_start3A_977 : memref<1x1x8x1024xf32, #tpu.memory_space<vmem>> -> memref<8x1024xf32, #tpu.memory_space<vmem>>
      %dma_start3A_979 = tpu.memref_slice %arg2[%dma_start3A_973, %mul3A_926, %mul3A_944] : memref<4x4096x4096xf32, #tpu.memory_space<hbm>> -> memref<1x8x1024xf32, #tpu.memory_space<hbm>>
      %dma_start3A_980 = tpu.memref_squeeze %dma_start3A_979 : memref<1x8x1024xf32, #tpu.memory_space<hbm>> -> memref<8x1024xf32, #tpu.memory_space<hbm>>
      %dma_start3A_981 = tpu.memref_slice %arg7[%rem3A_893] : memref<3x!tpu.dma_semaphore, #tpu.memory_space<semaphore_mem>> -> memref<1x!tpu.dma_semaphore, #tpu.memory_space<semaphore_mem>>
      %dma_start3A_982 = tpu.memref_squeeze %dma_start3A_981 : memref<1x!tpu.dma_semaphore, #tpu.memory_space<semaphore_mem>> -> memref<!tpu.dma_semaphore, #tpu.memory_space<semaphore_mem>>
      %dma_start3A_983 = arith.constant 0 : i32
      %dma_start3A_984 = arith.constant 0 : i32
      %dma_start3A_985 = tpu.memref_slice %arg5[%rem3A_893, %dma_start3A_974, %dma_start3A_983, %dma_start3A_984] : memref<3x4x8x1024xf32, #tpu.memory_space<vmem>> -> memref<1x1x8x1024xf32, #tpu.memory_space<vmem>>
      %dma_start3A_986 = tpu.memref_squeeze %dma_start3A_985 : memref<1x1x8x1024xf32, #tpu.memory_space<vmem>> -> memref<8x1024xf32, #tpu.memory_space<vmem>>
      %dma_start3A_987 = tpu.memref_slice %arg2[%dma_start3A_973, %mul3A_926, %mul3A_944] : memref<4x4096x4096xf32, #tpu.memory_space<hbm>> -> memref<1x8x1024xf32, #tpu.memory_space<hbm>>
      %dma_start3A_988 = tpu.memref_squeeze %dma_start3A_987 : memref<1x8x1024xf32, #tpu.memory_space<hbm>> -> memref<8x1024xf32, #tpu.memory_space<hbm>>
      tpu.enqueue_dma source(%dma_start3A_988 : memref<8x1024xf32, #tpu.memory_space<hbm>>) target(%dma_start3A_986 : memref<8x1024xf32, #tpu.memory_space<vmem>>) target_semaphore(%dma_start3A_982 : memref<!tpu.dma_semaphore, #tpu.memory_space<semaphore_mem>>)
      %dma_start3A_989 = arith.constant 2 : i32
      %dma_start3A_990 = arith.constant 2 : i32
      %dma_start3A_991 = arith.constant 0 : i32
      %dma_start3A_992 = arith.constant 0 : i32
      %dma_start3A_993 = tpu.memref_slice %arg5[%rem3A_893, %dma_start3A_990, %dma_start3A_991, %dma_start3A_992] : memref<3x4x8x1024xf32, #tpu.memory_space<vmem>> -> memref<1x1x8x1024xf32, #tpu.memory_space<vmem>>
      %dma_start3A_994 = tpu.memref_squeeze %dma_start3A_993 : memref<1x1x8x1024xf32, #tpu.memory_space<vmem>> -> memref<8x1024xf32, #tpu.memory_space<vmem>>
      %dma_start3A_995 = tpu.memref_slice %arg2[%dma_start3A_989, %mul3A_926, %mul3A_944] : memref<4x4096x4096xf32, #tpu.memory_space<hbm>> -> memref<1x8x1024xf32, #tpu.memory_space<hbm>>
      %dma_start3A_996 = tpu.memref_squeeze %dma_start3A_995 : memref<1x8x1024xf32, #tpu.memory_space<hbm>> -> memref<8x1024xf32, #tpu.memory_space<hbm>>
      %dma_start3A_997 = tpu.memref_slice %arg7[%rem3A_893] : memref<3x!tpu.dma_semaphore, #tpu.memory_space<semaphore_mem>> -> memref<1x!tpu.dma_semaphore, #tpu.memory_space<semaphore_mem>>
      %dma_start3A_998 = tpu.memref_squeeze %dma_start3A_997 : memref<1x!tpu.dma_semaphore, #tpu.memory_space<semaphore_mem>> -> memref<!tpu.dma_semaphore, #tpu.memory_space<semaphore_mem>>
      %dma_start3A_999 = arith.constant 0 : i32
      %dma_start3A_1000 = arith.constant 0 : i32
      %dma_start3A_1001 = tpu.memref_slice %arg5[%rem3A_893, %dma_start3A_990, %dma_start3A_999, %dma_start3A_1000] : memref<3x4x8x1024xf32, #tpu.memory_space<vmem>> -> memref<1x1x8x1024xf32, #tpu.memory_space<vmem>>
      %dma_start3A_1002 = tpu.memref_squeeze %dma_start3A_1001 : memref<1x1x8x1024xf32, #tpu.memory_space<vmem>> -> memref<8x1024xf32, #tpu.memory_space<vmem>>
      %dma_start3A_1003 = tpu.memref_slice %arg2[%dma_start3A_989, %mul3A_926, %mul3A_944] : memref<4x4096x4096xf32, #tpu.memory_space<hbm>> -> memref<1x8x1024xf32, #tpu.memory_space<hbm>>
      %dma_start3A_1004 = tpu.memref_squeeze %dma_start3A_1003 : memref<1x8x1024xf32, #tpu.memory_space<hbm>> -> memref<8x1024xf32, #tpu.memory_space<hbm>>
      tpu.enqueue_dma source(%dma_start3A_1004 : memref<8x1024xf32, #tpu.memory_space<hbm>>) target(%dma_start3A_1002 : memref<8x1024xf32, #tpu.memory_space<vmem>>) target_semaphore(%dma_start3A_998 : memref<!tpu.dma_semaphore, #tpu.memory_space<semaphore_mem>>)
      %dma_start3A_1005 = arith.constant 3 : i32
      %dma_start3A_1006 = arith.constant 3 : i32
      %dma_start3A_1007 = arith.constant 0 : i32
      %dma_start3A_1008 = arith.constant 0 : i32
      %dma_start3A_1009 = tpu.memref_slice %arg5[%rem3A_893, %dma_start3A_1006, %dma_start3A_1007, %dma_start3A_1008] : memref<3x4x8x1024xf32, #tpu.memory_space<vmem>> -> memref<1x1x8x1024xf32, #tpu.memory_space<vmem>>
      %dma_start3A_1010 = tpu.memref_squeeze %dma_start3A_1009 : memref<1x1x8x1024xf32, #tpu.memory_space<vmem>> -> memref<8x1024xf32, #tpu.memory_space<vmem>>
      %dma_start3A_1011 = tpu.memref_slice %arg2[%dma_start3A_1005, %mul3A_926, %mul3A_944] : memref<4x4096x4096xf32, #tpu.memory_space<hbm>> -> memref<1x8x1024xf32, #tpu.memory_space<hbm>>
      %dma_start3A_1012 = tpu.memref_squeeze %dma_start3A_1011 : memref<1x8x1024xf32, #tpu.memory_space<hbm>> -> memref<8x1024xf32, #tpu.memory_space<hbm>>
      %dma_start3A_1013 = tpu.memref_slice %arg7[%rem3A_893] : memref<3x!tpu.dma_semaphore, #tpu.memory_space<semaphore_mem>> -> memref<1x!tpu.dma_semaphore, #tpu.memory_space<semaphore_mem>>
      %dma_start3A_1014 = tpu.memref_squeeze %dma_start3A_1013 : memref<1x!tpu.dma_semaphore, #tpu.memory_space<semaphore_mem>> -> memref<!tpu.dma_semaphore, #tpu.memory_space<semaphore_mem>>
      %dma_start3A_1015 = arith.constant 0 : i32
      %dma_start3A_1016 = arith.constant 0 : i32
      %dma_start3A_1017 = tpu.memref_slice %arg5[%rem3A_893, %dma_start3A_1006, %dma_start3A_1015, %dma_start3A_1016] : memref<3x4x8x1024xf32, #tpu.memory_space<vmem>> -> memref<1x1x8x1024xf32, #tpu.memory_space<vmem>>
      %dma_start3A_1018 = tpu.memref_squeeze %dma_start3A_1017 : memref<1x1x8x1024xf32, #tpu.memory_space<vmem>> -> memref<8x1024xf32, #tpu.memory_space<vmem>>
      %dma_start3A_1019 = tpu.memref_slice %arg2[%dma_start3A_1005, %mul3A_926, %mul3A_944] : memref<4x4096x4096xf32, #tpu.memory_space<hbm>> -> memref<1x8x1024xf32, #tpu.memory_space<hbm>>
      %dma_start3A_1020 = tpu.memref_squeeze %dma_start3A_1019 : memref<1x8x1024xf32, #tpu.memory_space<hbm>> -> memref<8x1024xf32, #tpu.memory_space<hbm>>
      tpu.enqueue_dma source(%dma_start3A_1020 : memref<8x1024xf32, #tpu.memory_space<hbm>>) target(%dma_start3A_1018 : memref<8x1024xf32, #tpu.memory_space<vmem>>) target_semaphore(%dma_start3A_1014 : memref<!tpu.dma_semaphore, #tpu.memory_space<semaphore_mem>>)
    }
    %scan3A_263 = arith.constant 64 : i32
    %add3A_264 = arith.constant 63 : i32
    %add3A_265 = arith.addi %mul3A_2, %add3A_264 : i32
    %and3A_266 = arith.constant 2047 : i32
    %and3A_267 = arith.andi %add3A_265, %and3A_266 : i32
    %jit3A_268 = arith.constant 4 : i32
    %div3A_269 = arith.divsi %and3A_267, %jit3A_268 : i32
    %sign3A_270 = arith.constant 0 : i32
    %sign3A_271 = arith.cmpi sgt, %and3A_267, %sign3A_270 : i32
    %sign3A_272 = arith.extui %sign3A_271 : i1 to i32
    %sign3A_273 = arith.constant 0 : i32
    %sign3A_274 = arith.cmpi slt, %and3A_267, %sign3A_273 : i32
    %sign3A_275 = arith.extui %sign3A_274 : i1 to i32
    %sign3A_276 = arith.subi %sign3A_272, %sign3A_275 : i32
    %sign3A_277 = arith.constant 0 : i32
    %sign3A_278 = arith.cmpi sgt, %jit3A_268, %sign3A_277 : i32
    %sign3A_279 = arith.extui %sign3A_278 : i1 to i32
    %sign3A_280 = arith.constant 0 : i32
    %sign3A_281 = arith.cmpi slt, %jit3A_268, %sign3A_280 : i32
    %sign3A_282 = arith.extui %sign3A_281 : i1 to i32
    %sign3A_283 = arith.subi %sign3A_279, %sign3A_282 : i32
    %ne3A_284 = arith.cmpi ne, %sign3A_276, %sign3A_283 : i32
    %rem3A_285 = arith.remsi %and3A_267, %jit3A_268 : i32
    %ne3A_286 = arith.constant 0 : i32
    %ne3A_287 = arith.cmpi ne, %rem3A_285, %ne3A_286 : i32
    %and3A_288 = arith.andi %ne3A_284, %ne3A_287 : i1
    %sub3A_289 = arith.constant 1 : i32
    %sub3A_290 = arith.subi %div3A_269, %sub3A_289 : i32
    %select_n3A_291 = arith.select %and3A_288, %sub3A_290, %div3A_269 : i32
    %mul3A_292 = arith.constant 8 : i32
    %mul3A_293 = arith.muli %select_n3A_291, %mul3A_292 : i32
    %jit3A_294 = arith.constant 4 : i32
    %eq3A_295 = arith.constant 0 : i32
    %eq3A_296 = arith.cmpi eq, %jit3A_294, %eq3A_295 : i32
    %jit3A_297 = arith.constant 1 : i32
    %select_n3A_298 = arith.select %eq3A_296, %jit3A_297, %jit3A_294 : i32
    %rem3A_299 = arith.remsi %and3A_267, %select_n3A_298 : i32
    %ne3A_300 = arith.constant 0 : i32
    %ne3A_301 = arith.cmpi ne, %rem3A_299, %ne3A_300 : i32
    %lt3A_302 = arith.constant 0 : i32
    %lt3A_303 = arith.cmpi slt, %rem3A_299, %lt3A_302 : i32
    %lt3A_304 = arith.constant 0 : i32
    %lt3A_305 = arith.cmpi slt, %select_n3A_298, %lt3A_304 : i32
    %ne3A_306 = arith.xori %lt3A_303, %lt3A_305 : i1
    %and3A_307 = arith.andi %ne3A_306, %ne3A_301 : i1
    %add3A_308 = arith.addi %rem3A_299, %select_n3A_298 : i32
    %select_n3A_309 = arith.select %and3A_307, %add3A_308, %rem3A_299 : i32
    %mul3A_310 = arith.constant 1024 : i32
    %mul3A_311 = arith.muli %select_n3A_309, %mul3A_310 : i32
    %dma_wait3A = arith.constant 0 : i32
    %dma_wait3A_312 = arith.constant 0 : i32
    %dma_wait3A_313 = arith.constant 0 : i32
    %dma_wait3A_314 = arith.constant 0 : i32
    %dma_wait3A_315 = arith.constant 0 : i32
    %dma_wait3A_316 = arith.constant 0 : i32
    %dma_wait3A_317 = tpu.memref_slice %arg5[%dma_wait3A, %dma_wait3A_312, %dma_wait3A_315, %dma_wait3A_316] : memref<3x4x8x1024xf32, #tpu.memory_space<vmem>> -> memref<1x1x8x1024xf32, #tpu.memory_space<vmem>>
    %dma_wait3A_318 = tpu.memref_squeeze %dma_wait3A_317 : memref<1x1x8x1024xf32, #tpu.memory_space<vmem>> -> memref<8x1024xf32, #tpu.memory_space<vmem>>
    %dma_wait3A_319 = tpu.memref_slice %arg4[%dma_wait3A_313, %mul3A_293, %mul3A_311] : memref<4x4096x4096xf32, #tpu.memory_space<hbm>> -> memref<1x8x1024xf32, #tpu.memory_space<hbm>>
    %dma_wait3A_320 = tpu.memref_squeeze %dma_wait3A_319 : memref<1x8x1024xf32, #tpu.memory_space<hbm>> -> memref<8x1024xf32, #tpu.memory_space<hbm>>
    %dma_wait3A_321 = tpu.memref_slice %arg9[%dma_wait3A_314] : memref<3x!tpu.dma_semaphore, #tpu.memory_space<semaphore_mem>> -> memref<1x!tpu.dma_semaphore, #tpu.memory_space<semaphore_mem>>
    %dma_wait3A_322 = tpu.memref_squeeze %dma_wait3A_321 : memref<1x!tpu.dma_semaphore, #tpu.memory_space<semaphore_mem>> -> memref<!tpu.dma_semaphore, #tpu.memory_space<semaphore_mem>>
    %dma_wait3A_323 = tpu.memref_slice %arg4[%dma_wait3A_313, %mul3A_293, %mul3A_311] : memref<4x4096x4096xf32, #tpu.memory_space<hbm>> -> memref<1x8x1024xf32, #tpu.memory_space<hbm>>
    %dma_wait3A_324 = tpu.memref_squeeze %dma_wait3A_323 : memref<1x8x1024xf32, #tpu.memory_space<hbm>> -> memref<8x1024xf32, #tpu.memory_space<hbm>>
    %dma_wait3A_325 = arith.constant 0 : i32
    %dma_wait3A_326 = arith.constant 0 : i32
    %dma_wait3A_327 = tpu.memref_slice %arg5[%dma_wait3A, %dma_wait3A_312, %dma_wait3A_325, %dma_wait3A_326] : memref<3x4x8x1024xf32, #tpu.memory_space<vmem>> -> memref<1x1x8x1024xf32, #tpu.memory_space<vmem>>
    %dma_wait3A_328 = tpu.memref_squeeze %dma_wait3A_327 : memref<1x1x8x1024xf32, #tpu.memory_space<vmem>> -> memref<8x1024xf32, #tpu.memory_space<vmem>>
    tpu.wait_dma2 semaphore(%dma_wait3A_322 : memref<!tpu.dma_semaphore, #tpu.memory_space<semaphore_mem>>) src(%dma_wait3A_328 : memref<8x1024xf32, #tpu.memory_space<vmem>>) dst(%dma_wait3A_324 : memref<8x1024xf32, #tpu.memory_space<hbm>>)
    %dma_wait3A_329 = arith.constant 0 : i32
    %dma_wait3A_330 = arith.constant 1 : i32
    %dma_wait3A_331 = arith.constant 1 : i32
    %dma_wait3A_332 = arith.constant 0 : i32
    %dma_wait3A_333 = arith.constant 0 : i32
    %dma_wait3A_334 = arith.constant 0 : i32
    %dma_wait3A_335 = tpu.memref_slice %arg5[%dma_wait3A_329, %dma_wait3A_330, %dma_wait3A_333, %dma_wait3A_334] : memref<3x4x8x1024xf32, #tpu.memory_space<vmem>> -> memref<1x1x8x1024xf32, #tpu.memory_space<vmem>>
    %dma_wait3A_336 = tpu.memref_squeeze %dma_wait3A_335 : memref<1x1x8x1024xf32, #tpu.memory_space<vmem>> -> memref<8x1024xf32, #tpu.memory_space<vmem>>
    %dma_wait3A_337 = tpu.memref_slice %arg4[%dma_wait3A_331, %mul3A_293, %mul3A_311] : memref<4x4096x4096xf32, #tpu.memory_space<hbm>> -> memref<1x8x1024xf32, #tpu.memory_space<hbm>>
    %dma_wait3A_338 = tpu.memref_squeeze %dma_wait3A_337 : memref<1x8x1024xf32, #tpu.memory_space<hbm>> -> memref<8x1024xf32, #tpu.memory_space<hbm>>
    %dma_wait3A_339 = tpu.memref_slice %arg9[%dma_wait3A_332] : memref<3x!tpu.dma_semaphore, #tpu.memory_space<semaphore_mem>> -> memref<1x!tpu.dma_semaphore, #tpu.memory_space<semaphore_mem>>
    %dma_wait3A_340 = tpu.memref_squeeze %dma_wait3A_339 : memref<1x!tpu.dma_semaphore, #tpu.memory_space<semaphore_mem>> -> memref<!tpu.dma_semaphore, #tpu.memory_space<semaphore_mem>>
    %dma_wait3A_341 = tpu.memref_slice %arg4[%dma_wait3A_331, %mul3A_293, %mul3A_311] : memref<4x4096x4096xf32, #tpu.memory_space<hbm>> -> memref<1x8x1024xf32, #tpu.memory_space<hbm>>
    %dma_wait3A_342 = tpu.memref_squeeze %dma_wait3A_341 : memref<1x8x1024xf32, #tpu.memory_space<hbm>> -> memref<8x1024xf32, #tpu.memory_space<hbm>>
    %dma_wait3A_343 = arith.constant 0 : i32
    %dma_wait3A_344 = arith.constant 0 : i32
    %dma_wait3A_345 = tpu.memref_slice %arg5[%dma_wait3A_329, %dma_wait3A_330, %dma_wait3A_343, %dma_wait3A_344] : memref<3x4x8x1024xf32, #tpu.memory_space<vmem>> -> memref<1x1x8x1024xf32, #tpu.memory_space<vmem>>
    %dma_wait3A_346 = tpu.memref_squeeze %dma_wait3A_345 : memref<1x1x8x1024xf32, #tpu.memory_space<vmem>> -> memref<8x1024xf32, #tpu.memory_space<vmem>>
    tpu.wait_dma2 semaphore(%dma_wait3A_340 : memref<!tpu.dma_semaphore, #tpu.memory_space<semaphore_mem>>) src(%dma_wait3A_346 : memref<8x1024xf32, #tpu.memory_space<vmem>>) dst(%dma_wait3A_342 : memref<8x1024xf32, #tpu.memory_space<hbm>>)
    %dma_wait3A_347 = arith.constant 0 : i32
    %dma_wait3A_348 = arith.constant 2 : i32
    %dma_wait3A_349 = arith.constant 2 : i32
    %dma_wait3A_350 = arith.constant 0 : i32
    %dma_wait3A_351 = arith.constant 0 : i32
    %dma_wait3A_352 = arith.constant 0 : i32
    %dma_wait3A_353 = tpu.memref_slice %arg5[%dma_wait3A_347, %dma_wait3A_348, %dma_wait3A_351, %dma_wait3A_352] : memref<3x4x8x1024xf32, #tpu.memory_space<vmem>> -> memref<1x1x8x1024xf32, #tpu.memory_space<vmem>>
    %dma_wait3A_354 = tpu.memref_squeeze %dma_wait3A_353 : memref<1x1x8x1024xf32, #tpu.memory_space<vmem>> -> memref<8x1024xf32, #tpu.memory_space<vmem>>
    %dma_wait3A_355 = tpu.memref_slice %arg4[%dma_wait3A_349, %mul3A_293, %mul3A_311] : memref<4x4096x4096xf32, #tpu.memory_space<hbm>> -> memref<1x8x1024xf32, #tpu.memory_space<hbm>>
    %dma_wait3A_356 = tpu.memref_squeeze %dma_wait3A_355 : memref<1x8x1024xf32, #tpu.memory_space<hbm>> -> memref<8x1024xf32, #tpu.memory_space<hbm>>
    %dma_wait3A_357 = tpu.memref_slice %arg9[%dma_wait3A_350] : memref<3x!tpu.dma_semaphore, #tpu.memory_space<semaphore_mem>> -> memref<1x!tpu.dma_semaphore, #tpu.memory_space<semaphore_mem>>
    %dma_wait3A_358 = tpu.memref_squeeze %dma_wait3A_357 : memref<1x!tpu.dma_semaphore, #tpu.memory_space<semaphore_mem>> -> memref<!tpu.dma_semaphore, #tpu.memory_space<semaphore_mem>>
    %dma_wait3A_359 = tpu.memref_slice %arg4[%dma_wait3A_349, %mul3A_293, %mul3A_311] : memref<4x4096x4096xf32, #tpu.memory_space<hbm>> -> memref<1x8x1024xf32, #tpu.memory_space<hbm>>
    %dma_wait3A_360 = tpu.memref_squeeze %dma_wait3A_359 : memref<1x8x1024xf32, #tpu.memory_space<hbm>> -> memref<8x1024xf32, #tpu.memory_space<hbm>>
    %dma_wait3A_361 = arith.constant 0 : i32
    %dma_wait3A_362 = arith.constant 0 : i32
    %dma_wait3A_363 = tpu.memref_slice %arg5[%dma_wait3A_347, %dma_wait3A_348, %dma_wait3A_361, %dma_wait3A_362] : memref<3x4x8x1024xf32, #tpu.memory_space<vmem>> -> memref<1x1x8x1024xf32, #tpu.memory_space<vmem>>
    %dma_wait3A_364 = tpu.memref_squeeze %dma_wait3A_363 : memref<1x1x8x1024xf32, #tpu.memory_space<vmem>> -> memref<8x1024xf32, #tpu.memory_space<vmem>>
    tpu.wait_dma2 semaphore(%dma_wait3A_358 : memref<!tpu.dma_semaphore, #tpu.memory_space<semaphore_mem>>) src(%dma_wait3A_364 : memref<8x1024xf32, #tpu.memory_space<vmem>>) dst(%dma_wait3A_360 : memref<8x1024xf32, #tpu.memory_space<hbm>>)
    %dma_wait3A_365 = arith.constant 0 : i32
    %dma_wait3A_366 = arith.constant 3 : i32
    %dma_wait3A_367 = arith.constant 3 : i32
    %dma_wait3A_368 = arith.constant 0 : i32
    %dma_wait3A_369 = arith.constant 0 : i32
    %dma_wait3A_370 = arith.constant 0 : i32
    %dma_wait3A_371 = tpu.memref_slice %arg5[%dma_wait3A_365, %dma_wait3A_366, %dma_wait3A_369, %dma_wait3A_370] : memref<3x4x8x1024xf32, #tpu.memory_space<vmem>> -> memref<1x1x8x1024xf32, #tpu.memory_space<vmem>>
    %dma_wait3A_372 = tpu.memref_squeeze %dma_wait3A_371 : memref<1x1x8x1024xf32, #tpu.memory_space<vmem>> -> memref<8x1024xf32, #tpu.memory_space<vmem>>
    %dma_wait3A_373 = tpu.memref_slice %arg4[%dma_wait3A_367, %mul3A_293, %mul3A_311] : memref<4x4096x4096xf32, #tpu.memory_space<hbm>> -> memref<1x8x1024xf32, #tpu.memory_space<hbm>>
    %dma_wait3A_374 = tpu.memref_squeeze %dma_wait3A_373 : memref<1x8x1024xf32, #tpu.memory_space<hbm>> -> memref<8x1024xf32, #tpu.memory_space<hbm>>
    %dma_wait3A_375 = tpu.memref_slice %arg9[%dma_wait3A_368] : memref<3x!tpu.dma_semaphore, #tpu.memory_space<semaphore_mem>> -> memref<1x!tpu.dma_semaphore, #tpu.memory_space<semaphore_mem>>
    %dma_wait3A_376 = tpu.memref_squeeze %dma_wait3A_375 : memref<1x!tpu.dma_semaphore, #tpu.memory_space<semaphore_mem>> -> memref<!tpu.dma_semaphore, #tpu.memory_space<semaphore_mem>>
    %dma_wait3A_377 = tpu.memref_slice %arg4[%dma_wait3A_367, %mul3A_293, %mul3A_311] : memref<4x4096x4096xf32, #tpu.memory_space<hbm>> -> memref<1x8x1024xf32, #tpu.memory_space<hbm>>
    %dma_wait3A_378 = tpu.memref_squeeze %dma_wait3A_377 : memref<1x8x1024xf32, #tpu.memory_space<hbm>> -> memref<8x1024xf32, #tpu.memory_space<hbm>>
    %dma_wait3A_379 = arith.constant 0 : i32
    %dma_wait3A_380 = arith.constant 0 : i32
    %dma_wait3A_381 = tpu.memref_slice %arg5[%dma_wait3A_365, %dma_wait3A_366, %dma_wait3A_379, %dma_wait3A_380] : memref<3x4x8x1024xf32, #tpu.memory_space<vmem>> -> memref<1x1x8x1024xf32, #tpu.memory_space<vmem>>
    %dma_wait3A_382 = tpu.memref_squeeze %dma_wait3A_381 : memref<1x1x8x1024xf32, #tpu.memory_space<vmem>> -> memref<8x1024xf32, #tpu.memory_space<vmem>>
    tpu.wait_dma2 semaphore(%dma_wait3A_376 : memref<!tpu.dma_semaphore, #tpu.memory_space<semaphore_mem>>) src(%dma_wait3A_382 : memref<8x1024xf32, #tpu.memory_space<vmem>>) dst(%dma_wait3A_378 : memref<8x1024xf32, #tpu.memory_space<hbm>>)
    %add3A_383 = arith.constant 64 : i32
    %add3A_384 = arith.addi %mul3A_2, %add3A_383 : i32
    %and3A_385 = arith.constant 2047 : i32
    %and3A_386 = arith.andi %add3A_384, %and3A_385 : i32
    %jit3A_387 = arith.constant 4 : i32
    %div3A_388 = arith.divsi %and3A_386, %jit3A_387 : i32
    %sign3A_389 = arith.constant 0 : i32
    %sign3A_390 = arith.cmpi sgt, %and3A_386, %sign3A_389 : i32
    %sign3A_391 = arith.extui %sign3A_390 : i1 to i32
    %sign3A_392 = arith.constant 0 : i32
    %sign3A_393 = arith.cmpi slt, %and3A_386, %sign3A_392 : i32
    %sign3A_394 = arith.extui %sign3A_393 : i1 to i32
    %sign3A_395 = arith.subi %sign3A_391, %sign3A_394 : i32
    %sign3A_396 = arith.constant 0 : i32
    %sign3A_397 = arith.cmpi sgt, %jit3A_387, %sign3A_396 : i32
    %sign3A_398 = arith.extui %sign3A_397 : i1 to i32
    %sign3A_399 = arith.constant 0 : i32
    %sign3A_400 = arith.cmpi slt, %jit3A_387, %sign3A_399 : i32
    %sign3A_401 = arith.extui %sign3A_400 : i1 to i32
    %sign3A_402 = arith.subi %sign3A_398, %sign3A_401 : i32
    %ne3A_403 = arith.cmpi ne, %sign3A_395, %sign3A_402 : i32
    %rem3A_404 = arith.remsi %and3A_386, %jit3A_387 : i32
    %ne3A_405 = arith.constant 0 : i32
    %ne3A_406 = arith.cmpi ne, %rem3A_404, %ne3A_405 : i32
    %and3A_407 = arith.andi %ne3A_403, %ne3A_406 : i1
    %sub3A_408 = arith.constant 1 : i32
    %sub3A_409 = arith.subi %div3A_388, %sub3A_408 : i32
    %select_n3A_410 = arith.select %and3A_407, %sub3A_409, %div3A_388 : i32
    %mul3A_411 = arith.constant 8 : i32
    %mul3A_412 = arith.muli %select_n3A_410, %mul3A_411 : i32
    %jit3A_413 = arith.constant 4 : i32
    %eq3A_414 = arith.constant 0 : i32
    %eq3A_415 = arith.cmpi eq, %jit3A_413, %eq3A_414 : i32
    %jit3A_416 = arith.constant 1 : i32
    %select_n3A_417 = arith.select %eq3A_415, %jit3A_416, %jit3A_413 : i32
    %rem3A_418 = arith.remsi %and3A_386, %select_n3A_417 : i32
    %ne3A_419 = arith.constant 0 : i32
    %ne3A_420 = arith.cmpi ne, %rem3A_418, %ne3A_419 : i32
    %lt3A_421 = arith.constant 0 : i32
    %lt3A_422 = arith.cmpi slt, %rem3A_418, %lt3A_421 : i32
    %lt3A_423 = arith.constant 0 : i32
    %lt3A_424 = arith.cmpi slt, %select_n3A_417, %lt3A_423 : i32
    %ne3A_425 = arith.xori %lt3A_422, %lt3A_424 : i1
    %and3A_426 = arith.andi %ne3A_425, %ne3A_420 : i1
    %add3A_427 = arith.addi %rem3A_418, %select_n3A_417 : i32
    %select_n3A_428 = arith.select %and3A_426, %add3A_427, %rem3A_418 : i32
    %mul3A_429 = arith.constant 1024 : i32
    %mul3A_430 = arith.muli %select_n3A_428, %mul3A_429 : i32
    %dma_wait3A_431 = arith.constant 1 : i32
    %dma_wait3A_432 = arith.constant 1 : i32
    %dma_wait3A_433 = arith.constant 0 : i32
    %dma_wait3A_434 = arith.constant 0 : i32
    %dma_wait3A_435 = tpu.memref_slice %arg6[%dma_wait3A_431, %dma_wait3A_433, %dma_wait3A_434] : memref<3x8x1024xf32, #tpu.memory_space<vmem>> -> memref<1x8x1024xf32, #tpu.memory_space<vmem>>
    %dma_wait3A_436 = tpu.memref_squeeze %dma_wait3A_435 : memref<1x8x1024xf32, #tpu.memory_space<vmem>> -> memref<8x1024xf32, #tpu.memory_space<vmem>>
    %dma_wait3A_437 = tpu.memref_slice %arg3[%mul3A_412, %mul3A_430] : memref<8192x4096xf32, #tpu.memory_space<hbm>> -> memref<8x1024xf32, #tpu.memory_space<hbm>>
    %dma_wait3A_438 = tpu.memref_slice %arg8[%dma_wait3A_432] : memref<3x!tpu.dma_semaphore, #tpu.memory_space<semaphore_mem>> -> memref<1x!tpu.dma_semaphore, #tpu.memory_space<semaphore_mem>>
    %dma_wait3A_439 = tpu.memref_squeeze %dma_wait3A_438 : memref<1x!tpu.dma_semaphore, #tpu.memory_space<semaphore_mem>> -> memref<!tpu.dma_semaphore, #tpu.memory_space<semaphore_mem>>
    %dma_wait3A_440 = arith.constant 0 : i32
    %dma_wait3A_441 = arith.constant 0 : i32
    %dma_wait3A_442 = tpu.memref_slice %arg6[%dma_wait3A_431, %dma_wait3A_440, %dma_wait3A_441] : memref<3x8x1024xf32, #tpu.memory_space<vmem>> -> memref<1x8x1024xf32, #tpu.memory_space<vmem>>
    %dma_wait3A_443 = tpu.memref_squeeze %dma_wait3A_442 : memref<1x8x1024xf32, #tpu.memory_space<vmem>> -> memref<8x1024xf32, #tpu.memory_space<vmem>>
    %dma_wait3A_444 = tpu.memref_slice %arg3[%mul3A_412, %mul3A_430] : memref<8192x4096xf32, #tpu.memory_space<hbm>> -> memref<8x1024xf32, #tpu.memory_space<hbm>>
    tpu.wait_dma2 semaphore(%dma_wait3A_439 : memref<!tpu.dma_semaphore, #tpu.memory_space<semaphore_mem>>) src(%dma_wait3A_444 : memref<8x1024xf32, #tpu.memory_space<hbm>>) dst(%dma_wait3A_443 : memref<8x1024xf32, #tpu.memory_space<vmem>>)
    %dma_wait3A_445 = arith.constant 0 : i32
    %dma_wait3A_446 = arith.constant 1 : i32
    %dma_wait3A_447 = arith.constant 0 : i32
    %dma_wait3A_448 = arith.constant 1 : i32
    %dma_wait3A_449 = arith.constant 0 : i32
    %dma_wait3A_450 = arith.constant 0 : i32
    %dma_wait3A_451 = tpu.memref_slice %arg5[%dma_wait3A_446, %dma_wait3A_447, %dma_wait3A_449, %dma_wait3A_450] : memref<3x4x8x1024xf32, #tpu.memory_space<vmem>> -> memref<1x1x8x1024xf32, #tpu.memory_space<vmem>>
    %dma_wait3A_452 = tpu.memref_squeeze %dma_wait3A_451 : memref<1x1x8x1024xf32, #tpu.memory_space<vmem>> -> memref<8x1024xf32, #tpu.memory_space<vmem>>
    %dma_wait3A_453 = tpu.memref_slice %arg2[%dma_wait3A_445, %mul3A_412, %mul3A_430] : memref<4x4096x4096xf32, #tpu.memory_space<hbm>> -> memref<1x8x1024xf32, #tpu.memory_space<hbm>>
    %dma_wait3A_454 = tpu.memref_squeeze %dma_wait3A_453 : memref<1x8x1024xf32, #tpu.memory_space<hbm>> -> memref<8x1024xf32, #tpu.memory_space<hbm>>
    %dma_wait3A_455 = tpu.memref_slice %arg7[%dma_wait3A_448] : memref<3x!tpu.dma_semaphore, #tpu.memory_space<semaphore_mem>> -> memref<1x!tpu.dma_semaphore, #tpu.memory_space<semaphore_mem>>
    %dma_wait3A_456 = tpu.memref_squeeze %dma_wait3A_455 : memref<1x!tpu.dma_semaphore, #tpu.memory_space<semaphore_mem>> -> memref<!tpu.dma_semaphore, #tpu.memory_space<semaphore_mem>>
    %dma_wait3A_457 = arith.constant 0 : i32
    %dma_wait3A_458 = arith.constant 0 : i32
    %dma_wait3A_459 = tpu.memref_slice %arg5[%dma_wait3A_446, %dma_wait3A_447, %dma_wait3A_457, %dma_wait3A_458] : memref<3x4x8x1024xf32, #tpu.memory_space<vmem>> -> memref<1x1x8x1024xf32, #tpu.memory_space<vmem>>
    %dma_wait3A_460 = tpu.memref_squeeze %dma_wait3A_459 : memref<1x1x8x1024xf32, #tpu.memory_space<vmem>> -> memref<8x1024xf32, #tpu.memory_space<vmem>>
    %dma_wait3A_461 = tpu.memref_slice %arg2[%dma_wait3A_445, %mul3A_412, %mul3A_430] : memref<4x4096x4096xf32, #tpu.memory_space<hbm>> -> memref<1x8x1024xf32, #tpu.memory_space<hbm>>
    %dma_wait3A_462 = tpu.memref_squeeze %dma_wait3A_461 : memref<1x8x1024xf32, #tpu.memory_space<hbm>> -> memref<8x1024xf32, #tpu.memory_space<hbm>>
    tpu.wait_dma2 semaphore(%dma_wait3A_456 : memref<!tpu.dma_semaphore, #tpu.memory_space<semaphore_mem>>) src(%dma_wait3A_462 : memref<8x1024xf32, #tpu.memory_space<hbm>>) dst(%dma_wait3A_460 : memref<8x1024xf32, #tpu.memory_space<vmem>>)
    %dma_wait3A_463 = arith.constant 1 : i32
    %dma_wait3A_464 = arith.constant 1 : i32
    %dma_wait3A_465 = arith.constant 1 : i32
    %dma_wait3A_466 = arith.constant 1 : i32
    %dma_wait3A_467 = arith.constant 0 : i32
    %dma_wait3A_468 = arith.constant 0 : i32
    %dma_wait3A_469 = tpu.memref_slice %arg5[%dma_wait3A_464, %dma_wait3A_465, %dma_wait3A_467, %dma_wait3A_468] : memref<3x4x8x1024xf32, #tpu.memory_space<vmem>> -> memref<1x1x8x1024xf32, #tpu.memory_space<vmem>>
    %dma_wait3A_470 = tpu.memref_squeeze %dma_wait3A_469 : memref<1x1x8x1024xf32, #tpu.memory_space<vmem>> -> memref<8x1024xf32, #tpu.memory_space<vmem>>
    %dma_wait3A_471 = tpu.memref_slice %arg2[%dma_wait3A_463, %mul3A_412, %mul3A_430] : memref<4x4096x4096xf32, #tpu.memory_space<hbm>> -> memref<1x8x1024xf32, #tpu.memory_space<hbm>>
    %dma_wait3A_472 = tpu.memref_squeeze %dma_wait3A_471 : memref<1x8x1024xf32, #tpu.memory_space<hbm>> -> memref<8x1024xf32, #tpu.memory_space<hbm>>
    %dma_wait3A_473 = tpu.memref_slice %arg7[%dma_wait3A_466] : memref<3x!tpu.dma_semaphore, #tpu.memory_space<semaphore_mem>> -> memref<1x!tpu.dma_semaphore, #tpu.memory_space<semaphore_mem>>
    %dma_wait3A_474 = tpu.memref_squeeze %dma_wait3A_473 : memref<1x!tpu.dma_semaphore, #tpu.memory_space<semaphore_mem>> -> memref<!tpu.dma_semaphore, #tpu.memory_space<semaphore_mem>>
    %dma_wait3A_475 = arith.constant 0 : i32
    %dma_wait3A_476 = arith.constant 0 : i32
    %dma_wait3A_477 = tpu.memref_slice %arg5[%dma_wait3A_464, %dma_wait3A_465, %dma_wait3A_475, %dma_wait3A_476] : memref<3x4x8x1024xf32, #tpu.memory_space<vmem>> -> memref<1x1x8x1024xf32, #tpu.memory_space<vmem>>
    %dma_wait3A_478 = tpu.memref_squeeze %dma_wait3A_477 : memref<1x1x8x1024xf32, #tpu.memory_space<vmem>> -> memref<8x1024xf32, #tpu.memory_space<vmem>>
    %dma_wait3A_479 = tpu.memref_slice %arg2[%dma_wait3A_463, %mul3A_412, %mul3A_430] : memref<4x4096x4096xf32, #tpu.memory_space<hbm>> -> memref<1x8x1024xf32, #tpu.memory_space<hbm>>
    %dma_wait3A_480 = tpu.memref_squeeze %dma_wait3A_479 : memref<1x8x1024xf32, #tpu.memory_space<hbm>> -> memref<8x1024xf32, #tpu.memory_space<hbm>>
    tpu.wait_dma2 semaphore(%dma_wait3A_474 : memref<!tpu.dma_semaphore, #tpu.memory_space<semaphore_mem>>) src(%dma_wait3A_480 : memref<8x1024xf32, #tpu.memory_space<hbm>>) dst(%dma_wait3A_478 : memref<8x1024xf32, #tpu.memory_space<vmem>>)
    %dma_wait3A_481 = arith.constant 2 : i32
    %dma_wait3A_482 = arith.constant 1 : i32
    %dma_wait3A_483 = arith.constant 2 : i32
    %dma_wait3A_484 = arith.constant 1 : i32
    %dma_wait3A_485 = arith.constant 0 : i32
    %dma_wait3A_486 = arith.constant 0 : i32
    %dma_wait3A_487 = tpu.memref_slice %arg5[%dma_wait3A_482, %dma_wait3A_483, %dma_wait3A_485, %dma_wait3A_486] : memref<3x4x8x1024xf32, #tpu.memory_space<vmem>> -> memref<1x1x8x1024xf32, #tpu.memory_space<vmem>>
    %dma_wait3A_488 = tpu.memref_squeeze %dma_wait3A_487 : memref<1x1x8x1024xf32, #tpu.memory_space<vmem>> -> memref<8x1024xf32, #tpu.memory_space<vmem>>
    %dma_wait3A_489 = tpu.memref_slice %arg2[%dma_wait3A_481, %mul3A_412, %mul3A_430] : memref<4x4096x4096xf32, #tpu.memory_space<hbm>> -> memref<1x8x1024xf32, #tpu.memory_space<hbm>>
    %dma_wait3A_490 = tpu.memref_squeeze %dma_wait3A_489 : memref<1x8x1024xf32, #tpu.memory_space<hbm>> -> memref<8x1024xf32, #tpu.memory_space<hbm>>
    %dma_wait3A_491 = tpu.memref_slice %arg7[%dma_wait3A_484] : memref<3x!tpu.dma_semaphore, #tpu.memory_space<semaphore_mem>> -> memref<1x!tpu.dma_semaphore, #tpu.memory_space<semaphore_mem>>
    %dma_wait3A_492 = tpu.memref_squeeze %dma_wait3A_491 : memref<1x!tpu.dma_semaphore, #tpu.memory_space<semaphore_mem>> -> memref<!tpu.dma_semaphore, #tpu.memory_space<semaphore_mem>>
    %dma_wait3A_493 = arith.constant 0 : i32
    %dma_wait3A_494 = arith.constant 0 : i32
    %dma_wait3A_495 = tpu.memref_slice %arg5[%dma_wait3A_482, %dma_wait3A_483, %dma_wait3A_493, %dma_wait3A_494] : memref<3x4x8x1024xf32, #tpu.memory_space<vmem>> -> memref<1x1x8x1024xf32, #tpu.memory_space<vmem>>
    %dma_wait3A_496 = tpu.memref_squeeze %dma_wait3A_495 : memref<1x1x8x1024xf32, #tpu.memory_space<vmem>> -> memref<8x1024xf32, #tpu.memory_space<vmem>>
    %dma_wait3A_497 = tpu.memref_slice %arg2[%dma_wait3A_481, %mul3A_412, %mul3A_430] : memref<4x4096x4096xf32, #tpu.memory_space<hbm>> -> memref<1x8x1024xf32, #tpu.memory_space<hbm>>
    %dma_wait3A_498 = tpu.memref_squeeze %dma_wait3A_497 : memref<1x8x1024xf32, #tpu.memory_space<hbm>> -> memref<8x1024xf32, #tpu.memory_space<hbm>>
    tpu.wait_dma2 semaphore(%dma_wait3A_492 : memref<!tpu.dma_semaphore, #tpu.memory_space<semaphore_mem>>) src(%dma_wait3A_498 : memref<8x1024xf32, #tpu.memory_space<hbm>>) dst(%dma_wait3A_496 : memref<8x1024xf32, #tpu.memory_space<vmem>>)
    %dma_wait3A_499 = arith.constant 3 : i32
    %dma_wait3A_500 = arith.constant 1 : i32
    %dma_wait3A_501 = arith.constant 3 : i32
    %dma_wait3A_502 = arith.constant 1 : i32
    %dma_wait3A_503 = arith.constant 0 : i32
    %dma_wait3A_504 = arith.constant 0 : i32
    %dma_wait3A_505 = tpu.memref_slice %arg5[%dma_wait3A_500, %dma_wait3A_501, %dma_wait3A_503, %dma_wait3A_504] : memref<3x4x8x1024xf32, #tpu.memory_space<vmem>> -> memref<1x1x8x1024xf32, #tpu.memory_space<vmem>>
    %dma_wait3A_506 = tpu.memref_squeeze %dma_wait3A_505 : memref<1x1x8x1024xf32, #tpu.memory_space<vmem>> -> memref<8x1024xf32, #tpu.memory_space<vmem>>
    %dma_wait3A_507 = tpu.memref_slice %arg2[%dma_wait3A_499, %mul3A_412, %mul3A_430] : memref<4x4096x4096xf32, #tpu.memory_space<hbm>> -> memref<1x8x1024xf32, #tpu.memory_space<hbm>>
    %dma_wait3A_508 = tpu.memref_squeeze %dma_wait3A_507 : memref<1x8x1024xf32, #tpu.memory_space<hbm>> -> memref<8x1024xf32, #tpu.memory_space<hbm>>
    %dma_wait3A_509 = tpu.memref_slice %arg7[%dma_wait3A_502] : memref<3x!tpu.dma_semaphore, #tpu.memory_space<semaphore_mem>> -> memref<1x!tpu.dma_semaphore, #tpu.memory_space<semaphore_mem>>
    %dma_wait3A_510 = tpu.memref_squeeze %dma_wait3A_509 : memref<1x!tpu.dma_semaphore, #tpu.memory_space<semaphore_mem>> -> memref<!tpu.dma_semaphore, #tpu.memory_space<semaphore_mem>>
    %dma_wait3A_511 = arith.constant 0 : i32
    %dma_wait3A_512 = arith.constant 0 : i32
    %dma_wait3A_513 = tpu.memref_slice %arg5[%dma_wait3A_500, %dma_wait3A_501, %dma_wait3A_511, %dma_wait3A_512] : memref<3x4x8x1024xf32, #tpu.memory_space<vmem>> -> memref<1x1x8x1024xf32, #tpu.memory_space<vmem>>
    %dma_wait3A_514 = tpu.memref_squeeze %dma_wait3A_513 : memref<1x1x8x1024xf32, #tpu.memory_space<vmem>> -> memref<8x1024xf32, #tpu.memory_space<vmem>>
    %dma_wait3A_515 = tpu.memref_slice %arg2[%dma_wait3A_499, %mul3A_412, %mul3A_430] : memref<4x4096x4096xf32, #tpu.memory_space<hbm>> -> memref<1x8x1024xf32, #tpu.memory_space<hbm>>
    %dma_wait3A_516 = tpu.memref_squeeze %dma_wait3A_515 : memref<1x8x1024xf32, #tpu.memory_space<hbm>> -> memref<8x1024xf32, #tpu.memory_space<hbm>>
    tpu.wait_dma2 semaphore(%dma_wait3A_510 : memref<!tpu.dma_semaphore, #tpu.memory_space<semaphore_mem>>) src(%dma_wait3A_516 : memref<8x1024xf32, #tpu.memory_space<hbm>>) dst(%dma_wait3A_514 : memref<8x1024xf32, #tpu.memory_space<vmem>>)
    %add3A_517 = arith.constant 65 : i32
    %add3A_518 = arith.addi %mul3A_2, %add3A_517 : i32
    %and3A_519 = arith.constant 2047 : i32
    %and3A_520 = arith.andi %add3A_518, %and3A_519 : i32
    %jit3A_521 = arith.constant 4 : i32
    %div3A_522 = arith.divsi %and3A_520, %jit3A_521 : i32
    %sign3A_523 = arith.constant 0 : i32
    %sign3A_524 = arith.cmpi sgt, %and3A_520, %sign3A_523 : i32
    %sign3A_525 = arith.extui %sign3A_524 : i1 to i32
    %sign3A_526 = arith.constant 0 : i32
    %sign3A_527 = arith.cmpi slt, %and3A_520, %sign3A_526 : i32
    %sign3A_528 = arith.extui %sign3A_527 : i1 to i32
    %sign3A_529 = arith.subi %sign3A_525, %sign3A_528 : i32
    %sign3A_530 = arith.constant 0 : i32
    %sign3A_531 = arith.cmpi sgt, %jit3A_521, %sign3A_530 : i32
    %sign3A_532 = arith.extui %sign3A_531 : i1 to i32
    %sign3A_533 = arith.constant 0 : i32
    %sign3A_534 = arith.cmpi slt, %jit3A_521, %sign3A_533 : i32
    %sign3A_535 = arith.extui %sign3A_534 : i1 to i32
    %sign3A_536 = arith.subi %sign3A_532, %sign3A_535 : i32
    %ne3A_537 = arith.cmpi ne, %sign3A_529, %sign3A_536 : i32
    %rem3A_538 = arith.remsi %and3A_520, %jit3A_521 : i32
    %ne3A_539 = arith.constant 0 : i32
    %ne3A_540 = arith.cmpi ne, %rem3A_538, %ne3A_539 : i32
    %and3A_541 = arith.andi %ne3A_537, %ne3A_540 : i1
    %sub3A_542 = arith.constant 1 : i32
    %sub3A_543 = arith.subi %div3A_522, %sub3A_542 : i32
    %select_n3A_544 = arith.select %and3A_541, %sub3A_543, %div3A_522 : i32
    %mul3A_545 = arith.constant 8 : i32
    %mul3A_546 = arith.muli %select_n3A_544, %mul3A_545 : i32
    %jit3A_547 = arith.constant 4 : i32
    %eq3A_548 = arith.constant 0 : i32
    %eq3A_549 = arith.cmpi eq, %jit3A_547, %eq3A_548 : i32
    %jit3A_550 = arith.constant 1 : i32
    %select_n3A_551 = arith.select %eq3A_549, %jit3A_550, %jit3A_547 : i32
    %rem3A_552 = arith.remsi %and3A_520, %select_n3A_551 : i32
    %ne3A_553 = arith.constant 0 : i32
    %ne3A_554 = arith.cmpi ne, %rem3A_552, %ne3A_553 : i32
    %lt3A_555 = arith.constant 0 : i32
    %lt3A_556 = arith.cmpi slt, %rem3A_552, %lt3A_555 : i32
    %lt3A_557 = arith.constant 0 : i32
    %lt3A_558 = arith.cmpi slt, %select_n3A_551, %lt3A_557 : i32
    %ne3A_559 = arith.xori %lt3A_556, %lt3A_558 : i1
    %and3A_560 = arith.andi %ne3A_559, %ne3A_554 : i1
    %add3A_561 = arith.addi %rem3A_552, %select_n3A_551 : i32
    %select_n3A_562 = arith.select %and3A_560, %add3A_561, %rem3A_552 : i32
    %mul3A_563 = arith.constant 1024 : i32
    %mul3A_564 = arith.muli %select_n3A_562, %mul3A_563 : i32
    %dma_wait3A_565 = arith.constant 2 : i32
    %dma_wait3A_566 = arith.constant 2 : i32
    %dma_wait3A_567 = arith.constant 0 : i32
    %dma_wait3A_568 = arith.constant 0 : i32
    %dma_wait3A_569 = tpu.memref_slice %arg6[%dma_wait3A_565, %dma_wait3A_567, %dma_wait3A_568] : memref<3x8x1024xf32, #tpu.memory_space<vmem>> -> memref<1x8x1024xf32, #tpu.memory_space<vmem>>
    %dma_wait3A_570 = tpu.memref_squeeze %dma_wait3A_569 : memref<1x8x1024xf32, #tpu.memory_space<vmem>> -> memref<8x1024xf32, #tpu.memory_space<vmem>>
    %dma_wait3A_571 = tpu.memref_slice %arg3[%mul3A_546, %mul3A_564] : memref<8192x4096xf32, #tpu.memory_space<hbm>> -> memref<8x1024xf32, #tpu.memory_space<hbm>>
    %dma_wait3A_572 = tpu.memref_slice %arg8[%dma_wait3A_566] : memref<3x!tpu.dma_semaphore, #tpu.memory_space<semaphore_mem>> -> memref<1x!tpu.dma_semaphore, #tpu.memory_space<semaphore_mem>>
    %dma_wait3A_573 = tpu.memref_squeeze %dma_wait3A_572 : memref<1x!tpu.dma_semaphore, #tpu.memory_space<semaphore_mem>> -> memref<!tpu.dma_semaphore, #tpu.memory_space<semaphore_mem>>
    %dma_wait3A_574 = arith.constant 0 : i32
    %dma_wait3A_575 = arith.constant 0 : i32
    %dma_wait3A_576 = tpu.memref_slice %arg6[%dma_wait3A_565, %dma_wait3A_574, %dma_wait3A_575] : memref<3x8x1024xf32, #tpu.memory_space<vmem>> -> memref<1x8x1024xf32, #tpu.memory_space<vmem>>
    %dma_wait3A_577 = tpu.memref_squeeze %dma_wait3A_576 : memref<1x8x1024xf32, #tpu.memory_space<vmem>> -> memref<8x1024xf32, #tpu.memory_space<vmem>>
    %dma_wait3A_578 = tpu.memref_slice %arg3[%mul3A_546, %mul3A_564] : memref<8192x4096xf32, #tpu.memory_space<hbm>> -> memref<8x1024xf32, #tpu.memory_space<hbm>>
    tpu.wait_dma2 semaphore(%dma_wait3A_573 : memref<!tpu.dma_semaphore, #tpu.memory_space<semaphore_mem>>) src(%dma_wait3A_578 : memref<8x1024xf32, #tpu.memory_space<hbm>>) dst(%dma_wait3A_577 : memref<8x1024xf32, #tpu.memory_space<vmem>>)
    %dma_wait3A_579 = arith.constant 0 : i32
    %dma_wait3A_580 = arith.constant 2 : i32
    %dma_wait3A_581 = arith.constant 0 : i32
    %dma_wait3A_582 = arith.constant 2 : i32
    %dma_wait3A_583 = arith.constant 0 : i32
    %dma_wait3A_584 = arith.constant 0 : i32
    %dma_wait3A_585 = tpu.memref_slice %arg5[%dma_wait3A_580, %dma_wait3A_581, %dma_wait3A_583, %dma_wait3A_584] : memref<3x4x8x1024xf32, #tpu.memory_space<vmem>> -> memref<1x1x8x1024xf32, #tpu.memory_space<vmem>>
    %dma_wait3A_586 = tpu.memref_squeeze %dma_wait3A_585 : memref<1x1x8x1024xf32, #tpu.memory_space<vmem>> -> memref<8x1024xf32, #tpu.memory_space<vmem>>
    %dma_wait3A_587 = tpu.memref_slice %arg2[%dma_wait3A_579, %mul3A_546, %mul3A_564] : memref<4x4096x4096xf32, #tpu.memory_space<hbm>> -> memref<1x8x1024xf32, #tpu.memory_space<hbm>>
    %dma_wait3A_588 = tpu.memref_squeeze %dma_wait3A_587 : memref<1x8x1024xf32, #tpu.memory_space<hbm>> -> memref<8x1024xf32, #tpu.memory_space<hbm>>
    %dma_wait3A_589 = tpu.memref_slice %arg7[%dma_wait3A_582] : memref<3x!tpu.dma_semaphore, #tpu.memory_space<semaphore_mem>> -> memref<1x!tpu.dma_semaphore, #tpu.memory_space<semaphore_mem>>
    %dma_wait3A_590 = tpu.memref_squeeze %dma_wait3A_589 : memref<1x!tpu.dma_semaphore, #tpu.memory_space<semaphore_mem>> -> memref<!tpu.dma_semaphore, #tpu.memory_space<semaphore_mem>>
    %dma_wait3A_591 = arith.constant 0 : i32
    %dma_wait3A_592 = arith.constant 0 : i32
    %dma_wait3A_593 = tpu.memref_slice %arg5[%dma_wait3A_580, %dma_wait3A_581, %dma_wait3A_591, %dma_wait3A_592] : memref<3x4x8x1024xf32, #tpu.memory_space<vmem>> -> memref<1x1x8x1024xf32, #tpu.memory_space<vmem>>
    %dma_wait3A_594 = tpu.memref_squeeze %dma_wait3A_593 : memref<1x1x8x1024xf32, #tpu.memory_space<vmem>> -> memref<8x1024xf32, #tpu.memory_space<vmem>>
    %dma_wait3A_595 = tpu.memref_slice %arg2[%dma_wait3A_579, %mul3A_546, %mul3A_564] : memref<4x4096x4096xf32, #tpu.memory_space<hbm>> -> memref<1x8x1024xf32, #tpu.memory_space<hbm>>
    %dma_wait3A_596 = tpu.memref_squeeze %dma_wait3A_595 : memref<1x8x1024xf32, #tpu.memory_space<hbm>> -> memref<8x1024xf32, #tpu.memory_space<hbm>>
    tpu.wait_dma2 semaphore(%dma_wait3A_590 : memref<!tpu.dma_semaphore, #tpu.memory_space<semaphore_mem>>) src(%dma_wait3A_596 : memref<8x1024xf32, #tpu.memory_space<hbm>>) dst(%dma_wait3A_594 : memref<8x1024xf32, #tpu.memory_space<vmem>>)
    %dma_wait3A_597 = arith.constant 1 : i32
    %dma_wait3A_598 = arith.constant 2 : i32
    %dma_wait3A_599 = arith.constant 1 : i32
    %dma_wait3A_600 = arith.constant 2 : i32
    %dma_wait3A_601 = arith.constant 0 : i32
    %dma_wait3A_602 = arith.constant 0 : i32
    %dma_wait3A_603 = tpu.memref_slice %arg5[%dma_wait3A_598, %dma_wait3A_599, %dma_wait3A_601, %dma_wait3A_602] : memref<3x4x8x1024xf32, #tpu.memory_space<vmem>> -> memref<1x1x8x1024xf32, #tpu.memory_space<vmem>>
    %dma_wait3A_604 = tpu.memref_squeeze %dma_wait3A_603 : memref<1x1x8x1024xf32, #tpu.memory_space<vmem>> -> memref<8x1024xf32, #tpu.memory_space<vmem>>
    %dma_wait3A_605 = tpu.memref_slice %arg2[%dma_wait3A_597, %mul3A_546, %mul3A_564] : memref<4x4096x4096xf32, #tpu.memory_space<hbm>> -> memref<1x8x1024xf32, #tpu.memory_space<hbm>>
    %dma_wait3A_606 = tpu.memref_squeeze %dma_wait3A_605 : memref<1x8x1024xf32, #tpu.memory_space<hbm>> -> memref<8x1024xf32, #tpu.memory_space<hbm>>
    %dma_wait3A_607 = tpu.memref_slice %arg7[%dma_wait3A_600] : memref<3x!tpu.dma_semaphore, #tpu.memory_space<semaphore_mem>> -> memref<1x!tpu.dma_semaphore, #tpu.memory_space<semaphore_mem>>
    %dma_wait3A_608 = tpu.memref_squeeze %dma_wait3A_607 : memref<1x!tpu.dma_semaphore, #tpu.memory_space<semaphore_mem>> -> memref<!tpu.dma_semaphore, #tpu.memory_space<semaphore_mem>>
    %dma_wait3A_609 = arith.constant 0 : i32
    %dma_wait3A_610 = arith.constant 0 : i32
    %dma_wait3A_611 = tpu.memref_slice %arg5[%dma_wait3A_598, %dma_wait3A_599, %dma_wait3A_609, %dma_wait3A_610] : memref<3x4x8x1024xf32, #tpu.memory_space<vmem>> -> memref<1x1x8x1024xf32, #tpu.memory_space<vmem>>
    %dma_wait3A_612 = tpu.memref_squeeze %dma_wait3A_611 : memref<1x1x8x1024xf32, #tpu.memory_space<vmem>> -> memref<8x1024xf32, #tpu.memory_space<vmem>>
    %dma_wait3A_613 = tpu.memref_slice %arg2[%dma_wait3A_597, %mul3A_546, %mul3A_564] : memref<4x4096x4096xf32, #tpu.memory_space<hbm>> -> memref<1x8x1024xf32, #tpu.memory_space<hbm>>
    %dma_wait3A_614 = tpu.memref_squeeze %dma_wait3A_613 : memref<1x8x1024xf32, #tpu.memory_space<hbm>> -> memref<8x1024xf32, #tpu.memory_space<hbm>>
    tpu.wait_dma2 semaphore(%dma_wait3A_608 : memref<!tpu.dma_semaphore, #tpu.memory_space<semaphore_mem>>) src(%dma_wait3A_614 : memref<8x1024xf32, #tpu.memory_space<hbm>>) dst(%dma_wait3A_612 : memref<8x1024xf32, #tpu.memory_space<vmem>>)
    %dma_wait3A_615 = arith.constant 2 : i32
    %dma_wait3A_616 = arith.constant 2 : i32
    %dma_wait3A_617 = arith.constant 2 : i32
    %dma_wait3A_618 = arith.constant 2 : i32
    %dma_wait3A_619 = arith.constant 0 : i32
    %dma_wait3A_620 = arith.constant 0 : i32
    %dma_wait3A_621 = tpu.memref_slice %arg5[%dma_wait3A_616, %dma_wait3A_617, %dma_wait3A_619, %dma_wait3A_620] : memref<3x4x8x1024xf32, #tpu.memory_space<vmem>> -> memref<1x1x8x1024xf32, #tpu.memory_space<vmem>>
    %dma_wait3A_622 = tpu.memref_squeeze %dma_wait3A_621 : memref<1x1x8x1024xf32, #tpu.memory_space<vmem>> -> memref<8x1024xf32, #tpu.memory_space<vmem>>
    %dma_wait3A_623 = tpu.memref_slice %arg2[%dma_wait3A_615, %mul3A_546, %mul3A_564] : memref<4x4096x4096xf32, #tpu.memory_space<hbm>> -> memref<1x8x1024xf32, #tpu.memory_space<hbm>>
    %dma_wait3A_624 = tpu.memref_squeeze %dma_wait3A_623 : memref<1x8x1024xf32, #tpu.memory_space<hbm>> -> memref<8x1024xf32, #tpu.memory_space<hbm>>
    %dma_wait3A_625 = tpu.memref_slice %arg7[%dma_wait3A_618] : memref<3x!tpu.dma_semaphore, #tpu.memory_space<semaphore_mem>> -> memref<1x!tpu.dma_semaphore, #tpu.memory_space<semaphore_mem>>
    %dma_wait3A_626 = tpu.memref_squeeze %dma_wait3A_625 : memref<1x!tpu.dma_semaphore, #tpu.memory_space<semaphore_mem>> -> memref<!tpu.dma_semaphore, #tpu.memory_space<semaphore_mem>>
    %dma_wait3A_627 = arith.constant 0 : i32
    %dma_wait3A_628 = arith.constant 0 : i32
    %dma_wait3A_629 = tpu.memref_slice %arg5[%dma_wait3A_616, %dma_wait3A_617, %dma_wait3A_627, %dma_wait3A_628] : memref<3x4x8x1024xf32, #tpu.memory_space<vmem>> -> memref<1x1x8x1024xf32, #tpu.memory_space<vmem>>
    %dma_wait3A_630 = tpu.memref_squeeze %dma_wait3A_629 : memref<1x1x8x1024xf32, #tpu.memory_space<vmem>> -> memref<8x1024xf32, #tpu.memory_space<vmem>>
    %dma_wait3A_631 = tpu.memref_slice %arg2[%dma_wait3A_615, %mul3A_546, %mul3A_564] : memref<4x4096x4096xf32, #tpu.memory_space<hbm>> -> memref<1x8x1024xf32, #tpu.memory_space<hbm>>
    %dma_wait3A_632 = tpu.memref_squeeze %dma_wait3A_631 : memref<1x8x1024xf32, #tpu.memory_space<hbm>> -> memref<8x1024xf32, #tpu.memory_space<hbm>>
    tpu.wait_dma2 semaphore(%dma_wait3A_626 : memref<!tpu.dma_semaphore, #tpu.memory_space<semaphore_mem>>) src(%dma_wait3A_632 : memref<8x1024xf32, #tpu.memory_space<hbm>>) dst(%dma_wait3A_630 : memref<8x1024xf32, #tpu.memory_space<vmem>>)
    %dma_wait3A_633 = arith.constant 3 : i32
    %dma_wait3A_634 = arith.constant 2 : i32
    %dma_wait3A_635 = arith.constant 3 : i32
    %dma_wait3A_636 = arith.constant 2 : i32
    %dma_wait3A_637 = arith.constant 0 : i32
    %dma_wait3A_638 = arith.constant 0 : i32
    %dma_wait3A_639 = tpu.memref_slice %arg5[%dma_wait3A_634, %dma_wait3A_635, %dma_wait3A_637, %dma_wait3A_638] : memref<3x4x8x1024xf32, #tpu.memory_space<vmem>> -> memref<1x1x8x1024xf32, #tpu.memory_space<vmem>>
    %dma_wait3A_640 = tpu.memref_squeeze %dma_wait3A_639 : memref<1x1x8x1024xf32, #tpu.memory_space<vmem>> -> memref<8x1024xf32, #tpu.memory_space<vmem>>
    %dma_wait3A_641 = tpu.memref_slice %arg2[%dma_wait3A_633, %mul3A_546, %mul3A_564] : memref<4x4096x4096xf32, #tpu.memory_space<hbm>> -> memref<1x8x1024xf32, #tpu.memory_space<hbm>>
    %dma_wait3A_642 = tpu.memref_squeeze %dma_wait3A_641 : memref<1x8x1024xf32, #tpu.memory_space<hbm>> -> memref<8x1024xf32, #tpu.memory_space<hbm>>
    %dma_wait3A_643 = tpu.memref_slice %arg7[%dma_wait3A_636] : memref<3x!tpu.dma_semaphore, #tpu.memory_space<semaphore_mem>> -> memref<1x!tpu.dma_semaphore, #tpu.memory_space<semaphore_mem>>
    %dma_wait3A_644 = tpu.memref_squeeze %dma_wait3A_643 : memref<1x!tpu.dma_semaphore, #tpu.memory_space<semaphore_mem>> -> memref<!tpu.dma_semaphore, #tpu.memory_space<semaphore_mem>>
    %dma_wait3A_645 = arith.constant 0 : i32
    %dma_wait3A_646 = arith.constant 0 : i32
    %dma_wait3A_647 = tpu.memref_slice %arg5[%dma_wait3A_634, %dma_wait3A_635, %dma_wait3A_645, %dma_wait3A_646] : memref<3x4x8x1024xf32, #tpu.memory_space<vmem>> -> memref<1x1x8x1024xf32, #tpu.memory_space<vmem>>
    %dma_wait3A_648 = tpu.memref_squeeze %dma_wait3A_647 : memref<1x1x8x1024xf32, #tpu.memory_space<vmem>> -> memref<8x1024xf32, #tpu.memory_space<vmem>>
    %dma_wait3A_649 = tpu.memref_slice %arg2[%dma_wait3A_633, %mul3A_546, %mul3A_564] : memref<4x4096x4096xf32, #tpu.memory_space<hbm>> -> memref<1x8x1024xf32, #tpu.memory_space<hbm>>
    %dma_wait3A_650 = tpu.memref_squeeze %dma_wait3A_649 : memref<1x8x1024xf32, #tpu.memory_space<hbm>> -> memref<8x1024xf32, #tpu.memory_space<hbm>>
    tpu.wait_dma2 semaphore(%dma_wait3A_644 : memref<!tpu.dma_semaphore, #tpu.memory_space<semaphore_mem>>) src(%dma_wait3A_650 : memref<8x1024xf32, #tpu.memory_space<hbm>>) dst(%dma_wait3A_648 : memref<8x1024xf32, #tpu.memory_space<vmem>>)
    return
  }
}

</mosaic_0001>

<sc_bundles>
// kernel: kernel.3.cloned.1.call-start
scs
__scs_entry_jumppad:
0x0: {  	(pc) =	sbr.rel $0x88, $3  }
0x1: {  	(tag) =	ssettag $0x0;
	lr =	simm.s32 $0x1  }
0x2: {  	[smem:$0x3F9F] =	sst lr;
	_ =	strace $0xD0000000  }
0x3: {  	_ = 	snop  }
0x4: {  	_ = 	snop  }
0x5: {  	_ = 	snop  }
0x6: {  	_ = 	snop  }
0x7: {  	_ = 	snop  }
__scs_overlays_trampoline_lowered:
0x8: {  	[smem:$0x3FAE] =	sst s0  }
0x9: {  	[smem:$0x3FAF] =	sst s1  }
0xa: {  	[smem:$0x3FB0] =	sst s2  }
0xb: {  	[smem:$0x3FB1] =	sst s3  }
0xc: {  	[smem:$0x3FB2] =	sst s4  }
0xd: {  	[smem:$0x3FB3] =	sst s5  }
0xe: {  	[smem:$0x3FB4] =	sst s6  }
0xf: {  	[smem:$0x3FB5] =	sst s7  }
0x10: {  	[smem:$0x3FB6] =	sst s8  }
0x11: {  	[smem:$0x3FB7] =	sst s9;
	s0 =	simm.s32 @!p0 $0x0  }
0x12: {  	s1 =	sld [smem:$0x3F9D];
	s0 =	simm.s32 @p0 $0x1  }
0x13: {  	[smem:$0x3FB8] =	sst s0;
	s0 =	simm.s32 @!p1 $0x0  }
0x14: {  	s2 =	sld [smem:$0x3F9C];
	s0 =	simm.s32 @p1 $0x1  }
0x15: {  	[smem:$0x3FB9] =	sst s0;
	s0 =	simm.s32 @!p2 $0x0  }
0x16: {  	s3 =	sld [smem:$0x3FDB];
	s0 =	simm.s32 @p2 $0x1  }
0x17: {  	s4 =	simm.s32 $0x1BF5;
	[smem:$0x3FBB] =	sst s0  }
0x18: {  	s0 =	sld [smem:$0x3F9E];
	_ =	swait.ge [sflag:s4], $0x0  }
0x19: {  	s7 =	sld [smem:$0x3F9F]  }
0x1a: {  	s8 =	sadd.s32 $0xFFFFE003, lr  }
0x1b: {  	s9 =	sadd.s32 $0xFFFFFEF7, lr;
	s5 =	simm.s32 $0xFFFFFFFF;
	p2 =	slt.u32 s8, $0xFFFFF086  }
0x1c: {  	p1 =	slt.u32 s9, $0xF7A;
	s5 =	simm.s32 @!p2 $0x0  }
0x1d: {  	s5 =	simm.s32 @p1 $0x1;
	p0 =	seq.s32 s7, s2  }
0x1e: {  	s7 =	smul.u32 @!p0 $0xF7A, s2;
	p2 =	seq.s32 @!p0 s5, $0x0  }
0x1f: {  	s9 =	smul.u32 $0xF7A, s1;
	s8 =	simm.s32 @!p0 $0x1BF5;
	p2 =	por !p2, p0  }
0x20: {  	[sflag:s8] =	ssyncset.s32 @!p0 $0xFFFFF086;
	s6 =	sadd.s32 @!p0 s3, s7;
	s7 =	simm.s32 @!p0 $0x108  }
0x21: {  	s3 =	sadd.s32 s3, s9;
	s6 =	sadd.s32 @!p0 $0x88, s6;
	s7 =	simm.s32 @p2 $0x1082  }
0x22: {  	[simem:s7], [sflag:s8] =	dma.local @!p0 [hbm:s6], $0xF7A  }
0x23: {  	s9 =	sor.u32 $0xD0000000, s2;
	s6 =	simm.s32 $0x108;
	_ =	swait.ge @!p0 [sflag:s8], $0x0  }
0x24: {  	s3 =	sadd.s32 $0x88, s3;
	s6 =	simm.s32 @!p1 $0x1082;
	[sflag:s4] =	ssyncset.s32 $0xFFFFF086  }
0x25: {  	[simem:s6], [sflag:s4] =	dma.local [hbm:s3], $0xF7A  }
0x26: {  	[smem:$0x3F9F] =	sst s1;
	(tag) =	ssettag s2;
	_ =	strace s9  }
0x27: {  	s1 =	sld [smem:$0x3FAF]  }
0x28: {  	s2 =	sld [smem:$0x3FB0]  }
0x29: {  	s4 =	sld [smem:$0x3FB2]  }
0x2a: {  	p0 =	seq.s32 s5, $0x0;
	s5 =	sld [smem:$0x3FB3]  }
0x2b: {  	s6 =	sld [smem:$0x3FB4]  }
0x2c: {  	s7 =	sld [smem:$0x3FB5]  }
0x2d: {  	s3 =	simm.s32 $0x108;
	s8 =	sld [smem:$0x3FB6]  }
0x2e: {  	s3 =	simm.s32 @!p0 $0x1082;
	s9 =	sld [smem:$0x3FB7]  }
0x2f: {  	lr =	sadd.s32 s0, s3;
	s0 =	sld [smem:$0x3FAE]  }
0x30: {  	s3 =	sld [smem:$0x3FB1]  }
0x31: {  	[smem:$0x3FBA] =	sst s10  }
0x32: {  	s10 =	sld [smem:$0x3FB8];
	_ =	sdelay $0x3  }
0x33: {  	p0 =	seq.s32 s10, $0x1;
	s10 =	sld [smem:$0x3FBA];
	_ =	sdelay $0x3  }
0x34: {  	[smem:$0x3FBA] =	sst s10  }
0x35: {  	s10 =	sld [smem:$0x3FB9];
	_ =	sdelay $0x3  }
0x36: {  	p1 =	seq.s32 s10, $0x1;
	s10 =	sld [smem:$0x3FBA];
	_ =	sdelay $0x3  }
0x37: {  	[smem:$0x3FBA] =	sst s10  }
0x38: {  	s10 =	sld [smem:$0x3FBB]  }
0x39: {  	_ = 	snop;
	(pc) =	sbr.ind lr, $3  }
0x3a: {  	_ = 	snop  }
0x3b: {  	_ = 	snop  }
0x3c: {  	p2 =	seq.s32 s10, $0x1;
	s10 =	sld [smem:$0x3FBA]  }
0x3d: {  	_ =	shalt  }
0x3e: {  	_ =	shalt  }
0x3f: {  	_ =	shalt  }
0x40: {  	_ =	shalt  }
0x41: {  	_ =	shalt  }
0x42: {  	_ =	shalt  }
0x43: {  	_ =	shalt  }
0x44: {  	_ =	shalt  }
0x45: {  	_ =	shalt  }
0x46: {  	_ =	shalt  }
0x47: {  	_ =	shalt  }
0x48: {  	_ =	shalt  }
0x49: {  	_ =	shalt  }
0x4a: {  	_ =	shalt  }
0x4b: {  	_ =	shalt  }
0x4c: {  	_ =	shalt  }
0x4d: {  	_ =	shalt  }
0x4e: {  	_ =	shalt  }
0x4f: {  	_ =	shalt  }
0x50: {  	_ =	shalt  }
0x51: {  	_ =	shalt  }
0x52: {  	_ =	shalt  }
0x53: {  	_ =	shalt  }
0x54: {  	_ =	shalt  }
0x55: {  	_ =	shalt  }
0x56: {  	_ =	shalt  }
0x57: {  	_ =	shalt  }
0x58: {  	_ =	shalt  }
0x59: {  	_ =	shalt  }
0x5a: {  	_ =	shalt  }
0x5b: {  	_ =	shalt  }
0x5c: {  	_ =	shalt  }
0x5d: {  	_ =	shalt  }
0x5e: {  	_ =	shalt  }
0x5f: {  	_ =	shalt  }
0x60: {  	_ =	shalt  }
0x61: {  	_ =	shalt  }
0x62: {  	_ =	shalt  }
0x63: {  	_ =	shalt  }
0x64: {  	_ =	shalt  }
0x65: {  	_ =	shalt  }
0x66: {  	_ =	shalt  }
0x67: {  	_ =	shalt  }
0x68: {  	_ =	shalt  }
0x69: {  	_ =	shalt  }
0x6a: {  	_ =	shalt  }
0x6b: {  	_ =	shalt  }
0x6c: {  	_ =	shalt  }
0x6d: {  	_ =	shalt  }
0x6e: {  	_ =	shalt  }
0x6f: {  	_ =	shalt  }
0x70: {  	_ =	shalt  }
0x71: {  	_ =	shalt  }
0x72: {  	_ =	shalt  }
0x73: {  	_ =	shalt  }
0x74: {  	_ =	shalt  }
0x75: {  	_ =	shalt  }
0x76: {  	_ =	shalt  }
0x77: {  	_ =	shalt  }
0x78: {  	_ =	shalt  }
0x79: {  	_ =	shalt  }
0x7a: {  	_ =	shalt  }
0x7b: {  	_ =	shalt  }
0x7c: {  	_ =	shalt  }
0x7d: {  	_ =	shalt  }
0x7e: {  	_ =	shalt  }
0x7f: {  	_ =	shalt  }
0x80: {  	_ =	shalt  }
0x81: {  	_ =	shalt  }
0x82: {  	_ =	shalt  }
0x83: {  	_ =	shalt  }
0x84: {  	_ =	shalt  }
0x85: {  	_ =	shalt  }
0x86: {  	_ =	shalt  }
0x87: {  	_ =	shalt  }
.Lfunc_end0:
.L_simem_size_0:
called_computation_lowered:
.L_overlay_start_0:
0x88: {  	s2 =	sld [smem:$0x3FD9]  }
0x89: {  	s3 =	sld [smem:$0x3FFE];
	_ =	sdelay $0x1  }
0x8a: {  	s1 =	srdreg.scid  }
0x8b: {  	s0 =	sand.u32 $0x1, s1  }
0x8c: {  	s18 =	sshll.u32 s0, $0xA;
	s2 =	sadd.s32 s3, s2  }
0x8d: {  	s2 =	sadd.s32 s2, s18  }
0x8e: {  	[smem:$0x3FC6] =	sst s2  }
0x8f: {  	_ = 	snop  }
0x90: {  	s2 =	sld [smem:$0x3FC9]  }
0x91: {  	s19 =	sld [smem:$0x3FC8]  }
0x92: {  	s4 =	sld [smem:$0x3FD0];
	(tm) =	ssettm $0x1  }
0x93: {  	s5 =	sld [smem:$0x3FFB];
	_ =	sdelay $0x3  }
0x94: {  	_ =	strace s5  }
0x95: {  	s5 =	sld [smem:$0x3FFC];
	_ =	sdelay $0x3  }
0x96: {  	_ =	strace s5  }
0x97: {  	s5 =	sld [smem:$0x3FFD];
	_ =	sdelay $0x3  }
0x98: {  	_ =	strace s5  }
0x99: {  	_ =	strace $0x8FFFFFFF  }
0x9a: {  	s20 =	sld [smem:$0x3FDB];
	_ =	sdelay $0x1  }
0x9b: {  	s6 =	simm.s32 $_scs_section_size  }
0x9c: {  	s7 =	simm.s32 $_size__tile_overlayer_lowered;
	s8 =	simm.s32 $_tile_overlayer_lowered  }
0x9d: {  	s23 =	simm.s32 $0x1BFF;
	s22 =	sshll.u32 s8, $0x1;
	s5 =	sadd.s32 s6, s20  }
0x9e: {  	s9 =	simm.s32 $0x0;
	s21 =	sshll.u32 s7, $0x1;
	s7 =	sadd.s32 s22, s5  }
0x9f: {  	[timem:s9], [sflag:s23] =	dma.local [hbm:s7], s21  }
0xa0: {  	_ =	swait.ge [sflag:s23], s21  }
0xa1: {  	s6 =	ssub.s32 $0x0, s21;
	[sflag:s23] =	ssyncset.done $0x0  }
0xa2: {  	[sflag:s23] =	ssyncadd.s32 s6;
	_ =	sdelay $0x1  }
0xa3: {  	s24 =	simm.s32 $0x1B8B  }
0xa4: {  	_ =	swait.ge [sflag:s24], $0x1  }
0xa5: {  	[sflag:s24] =	ssyncset.done $0x0  }
0xa6: {  	s25 =	simm.s32 $0x1B8E;
	[sflag:s24] =	ssyncadd.s32 $0xFFFFFFFF  }
0xa7: {  	s26 =	simm.s32 $execute0_lowered;
	[smem:$0x3FD2] =	sst s25  }
0xa8: {  	s6 =	sshll.u32 s26, $0x1;
	_ =	strace $0x80000046;
	[dreg:$0x1] =	wrdreg $0xFFFFFFFF  }
0xa9: {  	s28 =	simm.s32 $_size_execute0_lowered;
	s5 =	sadd.s32 s5, s6;
	[dreg:$0x0] =	wrdreg $0x0  }
0xaa: {  	s6 =	sshll.u32 s28, $0x1;
	[dreg:$0x2] =	wrdreg s5  }
0xab: {  	[dreg:$0x3] =	wrdreg s6  }
0xac: {  	[dreg:$0x4] =	wrdreg $0xC0  }
0xad: {  	_ =	task [dreg:s9], $0x5FFFF  }
0xae: {  	[dreg:$0x1] =	wrdreg $0xFFFFFFFF  }
0xaf: {  	[dreg:$0x0] =	wrdreg $0x60  }
0xb0: {  	[dreg:$0x2] =	wrdreg s2  }
0xb1: {  	[dreg:$0x3] =	wrdreg s19  }
0xb2: {  	[dreg:$0x4] =	wrdreg s4  }
0xb3: {  	[dreg:$0x5] =	wrdreg $0x9  }
0xb4: {  	_ =	task.clear_ibuf [dreg:s9], $0x6FFFF;
	_ =	strace $0x90000046  }
0xb5: {  	s29 =	simm.s32 $0x9;
	_ =	strace $0x80000048  }
0xb6: {  	_ =	swait.ge [sflag:s29], $0x1  }
0xb7: {  	[sflag:s29] =	ssyncadd.s32 $0xFFFFFFFF  }
0xb8: {  	_ =	strace $0x90000048  }
0xb9: {  	_ =	sfence  }
0xba: {  	s30 =	sld [smem:$0x0];
	_ =	sdelay $0x2  }
0xbb: {  	s31 =	sshll.u32 s1, $0xD;
	s1 =	sshrl.u32 s1, $0x2  }
0xbc: {  	s3 =	sand.u32 $0x4000, s31;
	s1 =	sadd.s32 s1, s30  }
0xbd: {  	s0 =	sor.u32 s3, s0;
	s1 =	sshll.u32 s1, $0x11  }
0xbe: {  	s0 =	sor.u32 s1, s0  }
0xbf: {  	s0 =	sadd.s32 $0x8F2B, s0  }
0xc0: {  	[sflag:s0] =	ssyncadd.remote.s32 $0x1  }
0xc1: {  	_ =	sfence.sel $0xFFFF  }
0xc2: {  	[dreg:$0x0] =	wrdreg $0xFFFFFFFF;
	(pc) =	sbr.abs _section_cstart, $3  }
0xc3: {  	[dreg:$0x1] =	wrdreg $0xFFFFFFFF  }
0xc4: {  	_ =	task.clear_ibuf [dreg:s9], $0x2FFFF;
	_ =	strace $0x9FFFFFFF  }
0xc5: {  	(tm) =	ssettm $0x7FFFFFFF  }
tec
execute0_lowered:
.L_overlay_start_1:
0x0: {  	(tag) =	ssettag $0x1  }
0x1: {  	s0 =	srdreg.scid  }
0x2: {  	s1 =	rddreg [dreg:$0x0];
	s2 =	stileid.u32;
	s0 =	sand.u32 $0x1, s0  }
0x3: {  	s3 =	rddreg [dreg:$0x1];
	s2 =	sshll.u32 s2, $0x7;
	s6 =	sshll.u32 s0, $0x6  }
0x4: {  	s4 =	rddreg [dreg:$0x2];
	s5 =	simm.s32 $0x0;
	s6 =	sor.u32 s6, s2  }
0x5: {  	[smem:$0x7FF] =	sst s5;
	s0 =	ssub.s32 $0x2, s0;
	s2 =	sshll.u32 s6, $0xA  }
0x6: {  	_ =	strace $0x80000047;
	s8 =	sshrl.u32 s0, $0x1;
	s23 =	sadd.s32 s3, s2  }
0x7: {  	s0 =	ssub.s32 s0, s8;
	s7 =	sadd.s32 s1, s2;
	[dreg:$0x6] =	wrdreg s23  }
0x8: {  	s0 =	smax.u32 s0, $0x1;
	[dreg:$0x5] =	wrdreg s7  }
0x9: {  	s24 =	sadd.s32 $0x200000, s7;
	[dreg:$0xf] =	wrdreg s0  }
0xa: {  	s25 =	sadd.s32 $0x400000, s7;
	[dreg:$0x7] =	wrdreg s24  }
0xb: {  	s2 =	sor.u32 $0x400, s2;
	s26 =	sadd.s32 $0x600000, s7;
	[dreg:$0x8] =	wrdreg s25  }
0xc: {  	s28 =	sadd.s32 s3, s2;
	[dreg:$0x9] =	wrdreg s26  }
0xd: {  	s2 =	sadd.s32 s1, s2;
	[dreg:$0xa] =	wrdreg s28  }
0xe: {  	s29 =	sadd.s32 $0x200400, s7;
	[dreg:$0xb] =	wrdreg s2  }
0xf: {  	s30 =	sadd.s32 $0x400400, s7;
	[dreg:$0xc] =	wrdreg s29  }
0x10: {  	s31 =	sadd.s32 $0x600400, s7;
	[dreg:$0xd] =	wrdreg s30  }
0x11: {  	s0 =	simm.s32 $0x0;
	[dreg:$0xe] =	wrdreg s31;
	s2 =	simm.s32 $0x3  }
.LBB2_1:
0x12: {  	s7 =	rddreg [dreg:$0x6];
	s8 =	simm.s32 $0x18000  }
0x13: {  	[tilespmem:s8], [sflag:$0x4] =	stream.linear.gather [hbm4b:s7+s5], $0x2000, $0x38;
	[tilespmem:$0x1E000] =	vst v63  }
0x14: {  	s14 =	rddreg [dreg:$0x5]  }
0x15: {  	[tilespmem:s5], [sflag:$0x1] =	stream.linear.gather [hbm4b:s14+s5], $0x2000, $0x38;
	[tilespmem:$0x1E000] =	vst v63  }
0x16: {  	s15 =	rddreg [dreg:$0x7];
	s16 =	simm.s32 $0x2000  }
0x17: {  	[tilespmem:s16], [sflag:$0x1] =	stream.linear.gather [hbm4b:s15+s5], $0x2000, $0x38;
	[tilespmem:$0x1E000] =	vst v63  }
0x18: {  	s17 =	rddreg [dreg:$0x8];
	s18 =	simm.s32 $0x4000  }
0x19: {  	[tilespmem:s18], [sflag:$0x1] =	stream.linear.gather [hbm4b:s17+s5], $0x2000, $0x38;
	[tilespmem:$0x1E000] =	vst v63  }
0x1a: {  	s19 =	rddreg [dreg:$0x9];
	s20 =	simm.s32 $0x6000  }
0x1b: {  	[tilespmem:s20], [sflag:$0x1] =	stream.linear.gather [hbm4b:s19+s5], $0x2000, $0x38;
	[tilespmem:$0x1E000] =	vst v63  }
0x1c: {  	s21 =	rddreg [dreg:$0xa];
	s22 =	simm.s32 $0x1A000  }
0x1d: {  	[tilespmem:s22], [sflag:$0x5] =	stream.linear.gather [hbm4b:s21+s5], $0x2000, $0x38;
	[tilespmem:$0x1E000] =	vst v63  }
0x1e: {  	s23 =	rddreg [dreg:$0xb];
	s24 =	simm.s32 $0x8000  }
0x1f: {  	[tilespmem:s24], [sflag:$0x2] =	stream.linear.gather [hbm4b:s23+s5], $0x2000, $0x38;
	[tilespmem:$0x1E000] =	vst v63  }
0x20: {  	s25 =	rddreg [dreg:$0xc];
	s26 =	simm.s32 $0xA000  }
0x21: {  	[tilespmem:s26], [sflag:$0x2] =	stream.linear.gather [hbm4b:s25+s5], $0x2000, $0x38;
	[tilespmem:$0x1E000] =	vst v63  }
0x22: {  	s28 =	rddreg [dreg:$0xd];
	s29 =	simm.s32 $0xC000  }
0x23: {  	[tilespmem:s29], [sflag:$0x2] =	stream.linear.gather [hbm4b:s28+s5], $0x2000, $0x38;
	[tilespmem:$0x1E000] =	vst v63  }
0x24: {  	s30 =	rddreg [dreg:$0xe];
	s31 =	simm.s32 $0xE000;
	s18 =	simm.s32 $0x0  }
0x25: {  	[tilespmem:s31], [sflag:$0x2] =	stream.linear.gather [hbm4b:s30+s5], $0x2000, $0x38;
	[tilespmem:$0x1E000] =	vst v63  }
.LBB2_2:
0x26: {  	s8 =	smul.u32 $0xAB, s18;
	_ =	sdelay $0x1  }
0x27: {  	s8 =	sshrl.u32 s8, $0x9  }
0x28: {  	s8 =	sand.u32 $0x7F, s8  }
0x29: {  	s8 =	smul.u32 $0x3, s8;
	_ =	sdelay $0x1  }
0x2a: {  	s8 =	ssub.s32 s18, s8  }
0x2b: {  	s19 =	sand.u32 $0xFF, s8  }
0x2c: {  	s8 =	sor.u32 $0x4, s19  }
0x2d: {  	_ =	swait.ge [sflag:s8], $0x2000  }
0x2e: {  	[sflag:s8] =	ssyncset.done $0x0  }
0x2f: {  	s26 =	sadd.s32 $0x1, s19;
	[sflag:s8] =	ssyncadd.s32 $0xFFFFE000  }
0x30: {  	_ =	swait.ge [sflag:s26], $0x2000  }
0x31: {  	[sflag:s26] =	ssyncset.done $0x0  }
0x32: {  	[sflag:s26] =	ssyncadd.s32 $0xFFFFE000  }
0x33: {  	_ =	swait.ge [sflag:s26], $0x2000  }
0x34: {  	[sflag:s26] =	ssyncset.done $0x0  }
0x35: {  	[sflag:s26] =	ssyncadd.s32 $0xFFFFE000  }
0x36: {  	_ =	swait.ge [sflag:s26], $0x2000  }
0x37: {  	s9 =	sshll.u32 s19, $0xD;
	[sflag:s26] =	ssyncset.done $0x0  }
0x38: {  	s9 =	sor.u32 $0x18000, s9;
	[sflag:s26] =	ssyncadd.s32 $0xFFFFE000  }
0x39: {  	s24 =	simm.s32 $0x0;
	_ =	swait.ge [sflag:s26], $0x2000;
	[dreg:$0x4] =	wrdreg s9  }
0x3a: {  	s25 =	simm.s32 $0x0;
	s10 =	sand.u32 $0x1C00, s24;
	s9 =	rddreg [dreg:$0x4]  }
0x3b: {  	s11 =	sand.u32 $0x40, s25;
	s12 =	sand.u32 $0x380, s24;
	s9 =	sadd.s32 s10, s9  }
0x3c: {  	s13 =	sor.u32 $0x30, s11;
	[sflag:s26] =	ssyncset.done $0x0;
	s9 =	sadd.s32 s12, s9  }
0x3d: {  	s29 =	sor.u32 $0x10, s11;
	[sflag:s26] =	ssyncadd.s32 $0xFFFFE000;
	s28 =	sadd.s32 s13, s9  }
0x3e: {  	s21 =	sadd.s32 s29, s9;
	v2 =	vld [tilespmem:s28+$0x0]  }
0x3f: {  	v1 =	vld [tilespmem:s21+$0x0]  }
0x40: {  	s22 =	sshll.u32 s19, $0xF;
	s26 =	sor.u32 $0x20, s11;
	s14 =	sadd.s32 s11, s9  }
0x41: {  	s15 =	sadd.s32 s12, s22;
	s9 =	sadd.s32 s26, s9;
	s13 =	sor.u32 s13, s10;
	v3 =	vld [tilespmem:s14+$0x0]  }
0x42: {  	s20 =	sor.u32 $0x2000, s22;
	s8 =	sor.u32 s29, s10;
	v0 =	vld [tilespmem:s9+$0x0];
	s30 =	sadd.s32 s13, s15  }
0x43: {  	s23 =	sor.u32 $0x4000, s22;
	s9 =	sadd.s32 s12, s20;
	s28 =	sadd.s32 s8, s15;
	[tilespmem:s30+$0x0] =	vst.add.f32.msk $0xffff, v2  }
0x44: {  	s16 =	sadd.s32 s12, s23;
	s21 =	sor.u32 $0x6000, s22;
	s31 =	sadd.s32 s13, s9;
	[tilespmem:s28+$0x0] =	vst.add.f32.msk $0xffff, v1  }
0x45: {  	s7 =	sadd.s32 s13, s16;
	s17 =	sadd.s32 s12, s21;
	[tilespmem:s31+$0x0] =	vst.add.f32.msk $0xffff, v2  }
0x46: {  	s14 =	sadd.s32 s13, s17;
	[tilespmem:s7+$0x0] =	vst.add.f32.msk $0xffff, v2;
	s7 =	sor.u32 s11, s10  }
0x47: {  	[tilespmem:s14+$0x0] =	vst.add.f32.msk $0xffff, v2;
	s29 =	sadd.s32 s7, s15  }
0x48: {  	s26 =	sor.u32 s26, s10;
	s12 =	sadd.s32 s8, s9;
	s30 =	sadd.s32 s7, s9;
	[tilespmem:s29+$0x0] =	vst.add.f32.msk $0xffff, v3  }
0x49: {  	s13 =	sadd.s32 s8, s17;
	s11 =	sadd.s32 s26, s15;
	s31 =	sadd.s32 s7, s16;
	[tilespmem:s30+$0x0] =	vst.add.f32.msk $0xffff, v3  }
0x4a: {  	s10 =	sadd.s32 s26, s9;
	s14 =	sadd.s32 s8, s16;
	s7 =	sadd.s32 s7, s17;
	[tilespmem:s31+$0x0] =	vst.add.f32.msk $0xffff, v3  }
0x4b: {  	s9 =	sadd.s32 s26, s16;
	s26 =	sadd.s32 s26, s17;
	s8 =	simm.s32 $0x0;
	[tilespmem:s7+$0x0] =	vst.add.f32.msk $0xffff, v3  }
.LBB2_3:
0x4c: {  	[tilespmem:s12+$0x0] =	vst.add.f32.msk $0xffff, v1  }
0x4d: {  	s7 =	rddreg [dreg:$0x4];
	s24 =	sadd.s32 $0x200, s24;
	[tilespmem:s11+$0x0] =	vst.add.f32.msk $0xffff, v0  }
0x4e: {  	s25 =	sadd.s32 $0x40, s25;
	s8 =	sadd.s32 $0x8, s8;
	[tilespmem:s14+$0x0] =	vst.add.f32.msk $0xffff, v1;
	s12 =	sand.u32 $0x1C00, s24  }
0x4f: {  	s28 =	sand.u32 $0x40, s25;
	s14 =	sand.u32 $0x380, s8;
	[tilespmem:s10+$0x0] =	vst.add.f32.msk $0xffff, v0;
	s7 =	sadd.s32 s12, s7  }
0x50: {  	[tilespmem:s13+$0x0] =	vst.add.f32.msk $0xffff, v1;
	s15 =	sor.u32 $0x30, s28;
	s7 =	sadd.s32 s14, s7  }
0x51: {  	s29 =	sor.u32 $0x10, s28;
	[tilespmem:s9+$0x0] =	vst.add.f32.msk $0xffff, v0;
	s17 =	sadd.s32 s15, s7  }
0x52: {  	s31 =	sadd.s32 s29, s7;
	v2 =	vld [tilespmem:s17+$0x0]  }
0x53: {  	s16 =	sor.u32 $0x20, s28;
	s30 =	sadd.s32 s28, s7;
	v1 =	vld [tilespmem:s31+$0x0]  }
0x54: {  	p0 =	slt.u32 s25, $0x1FC0;
	s11 =	sor.u32 s29, s12;
	s7 =	sadd.s32 s16, s7;
	v3 =	vld [tilespmem:s30+$0x0]  }
0x55: {  	s16 =	sor.u32 s16, s12;
	s29 =	sadd.s32 s14, s22;
	v4 =	vld [tilespmem:s7+$0x0];
	s7 =	sor.u32 s15, s12  }
0x56: {  	s17 =	sor.u32 s28, s12;
	s15 =	sadd.s32 s14, s20;
	[tilespmem:s26+$0x0] =	vst.add.f32.msk $0xffff, v0;
	s13 =	sadd.s32 s7, s29  }
0x57: {  	s31 =	sadd.s32 s11, s29;
	s28 =	sadd.s32 s14, s23;
	s30 =	sadd.s32 s14, s21;
	[tilespmem:s13+$0x0] =	vst.add.f32.msk $0xffff, v2  }
0x58: {  	s12 =	sadd.s32 s11, s15;
	s26 =	sadd.s32 s7, s15;
	s14 =	sadd.s32 s11, s28;
	[tilespmem:s31+$0x0] =	vst.add.f32.msk $0xffff, v1  }
0x59: {  	s10 =	sadd.s32 s7, s28;
	s7 =	sadd.s32 s7, s30;
	s9 =	sadd.s32 s16, s28;
	[tilespmem:s26+$0x0] =	vst.add.f32.msk $0xffff, v2  }
0x5a: {  	s13 =	sadd.s32 s11, s30;
	s11 =	sadd.s32 s16, s29;
	s26 =	sadd.s32 s16, s30;
	[tilespmem:s10+$0x0] =	vst.add.f32.msk $0xffff, v2  }
.Ltmp0:
0x5b: {  	s10 =	sadd.s32 s16, s15;
	s16 =	sadd.s32 s17, s29;
	[tilespmem:s7+$0x0] =	vst.add.f32.msk $0xffff, v2;
	(pc) =	sbr.rel @p0 .LBB2_3-.Ltmp0, $4  }
0x5c: {  	s15 =	sadd.s32 s17, s15;
	[tilespmem:s16+$0x0] =	vst.add.f32.msk $0xffff, v3  }
0x5d: {  	s29 =	sadd.s32 s17, s28;
	[tilespmem:s15+$0x0] =	vst.add.f32.msk $0xffff, v3  }
0x5e: {  	s31 =	sadd.s32 s17, s30;
	[tilespmem:s29+$0x0] =	vst.add.f32.msk $0xffff, v3  }
0x5f: {  	v0 =	vmov v4;
	[tilespmem:s31+$0x0] =	vst.add.f32.msk $0xffff, v3  }
0x60: {  	s7 =	sor.u32 s6, s18;
	s8 =	sand.u32 $0x3, s18  }
0x61: {  	p0 =	seq.s32 s7, $0x0;
	p1 =	sne.s32 s8, $0x0  }
0x62: {  	p0 =	por !p0, !p1  }
0x63: {  	[tilespmem:s12+$0x0] =	vst.add.f32.msk $0xffff, v1;
	s12 =	simm.s32 $0x1;
	p0 =	por !p0, !p0  }
0x64: {  	[tilespmem:s11+$0x0] =	vst.add.f32.msk $0xffff, v0;
	s7 =	sshrl.u32 s7, $0x2;
	s12 =	simm.s32 @!p0 $0x0  }
0x65: {  	[tilespmem:s14+$0x0] =	vst.add.f32.msk $0xffff, v1;
	s7 =	ssub.s32 s7, s12  }
0x66: {  	s8 =	sshll.u32 s8, $0xD;
	[tilespmem:s10+$0x0] =	vst.add.f32.msk $0xffff, v0;
	s7 =	sshll.u32 s7, $0xF  }
0x67: {  	[tilespmem:s13+$0x0] =	vst.add.f32.msk $0xffff, v1;
	s7 =	sor.u32 s8, s7  }
0x68: {  	[tilespmem:s9+$0x0] =	vst.add.f32.msk $0xffff, v0;
	s8 =	sshrl.u32 s7, $0x3  }
0x69: {  	s13 =	sadd.s32 $0x7, s19;
	[tilespmem:s26+$0x0] =	vst.add.f32.msk $0xffff, v0;
	s14 =	sadd.s32 $0x1000000, s7;
	s8 =	sadd.s32 s4, s8  }
0x6a: {  	[hbm4b:s8+s5] =	stream.linear.scatter [tilespmem:s22], [sflag:s13], $0x2000, $0x38;
	[tilespmem:$0x1E000] =	vst v63  }
0x6b: {  	s16 =	sadd.s32 $0x2, s18;
	s8 =	sshrl.u32 s14, $0x3  }
0x6c: {  	s17 =	smulhi.u32 $0xAAAAAAAB, s16;
	s15 =	sadd.s32 $0x2000000, s7;
	s8 =	sadd.s32 s4, s8  }
0x6d: {  	[hbm4b:s8+s5] =	stream.linear.scatter [tilespmem:s20], [sflag:s13], $0x2000, $0x38;
	[tilespmem:$0x1E000] =	vst v63  }
0x6e: {  	s7 =	sadd.s32 $0x3000000, s7;
	s8 =	sshrl.u32 s15, $0x3  }
0x6f: {  	s10 =	sshrl.u32 s17, $0x1;
	s7 =	sshrl.u32 s7, $0x3;
	s8 =	sadd.s32 s4, s8  }
0x70: {  	[hbm4b:s8+s5] =	stream.linear.scatter [tilespmem:s23], [sflag:s13], $0x2000, $0x38;
	[tilespmem:$0x1E000] =	vst v63  }
0x71: {  	s10 =	smul.u32 $0x3, s10;
	s7 =	sadd.s32 s4, s7  }
0x72: {  	[hbm4b:s7+s5] =	stream.linear.scatter [tilespmem:s21], [sflag:s13], $0x2000, $0x38;
	[tilespmem:$0x1E000] =	vst v63  }
0x73: {  	p0 =	seq.s32 s18, $0x0;
	s7 =	ssub.s32 s16, s10  }
0x74: {  	s9 =	sadd.s32 @!p0 $0x7, s7  }
0x75: {  	s11 =	simm.s32 $0x1;
	_ =	swait.ge @!p0 [sflag:s9], $0x2000  }
0x76: {  	s19 =	sadd.s32 s6, s16;
	s18 =	sadd.s32 $0x1, s18;
	[sflag:s9] =	ssyncset.done @!p0 $0x0  }
0x77: {  	s8 =	sand.u32 $0x3, s16;
	s10 =	sand.u32 $0x7FF, s19;
	[sflag:s9] =	ssyncadd.s32 @!p0 $0xFFFFE000  }
0x78: {  	p2 =	sne.s32 s8, $0x0;
	p6 =	seq.s32 s10, $0x0;
	_ =	swait.ge @!p0 [sflag:s9], $0x2000  }
0x79: {  	s8 =	sshll.u32 s8, $0xD;
	p1 =	por !p2, !p6;
	[sflag:s9] =	ssyncset.done @!p0 $0x0  }
0x7a: {  	s10 =	sshrl.u32 s10, $0x2;
	p1 =	por !p1, !p1;
	[sflag:s9] =	ssyncadd.s32 @!p0 $0xFFFFE000  }
0x7b: {  	s20 =	sshll.u32 s7, $0xF;
	s11 =	simm.s32 @!p1 $0x0;
	_ =	swait.ge @!p0 [sflag:s9], $0x2000  }
0x7c: {  	s23 =	sadd.s32 $0x4, s7;
	s10 =	ssub.s32 s10, s11;
	[sflag:s9] =	ssyncset.done @!p0 $0x0  }
0x7d: {  	s7 =	sadd.s32 $0x1, s7;
	s10 =	sshll.u32 s10, $0xF;
	[sflag:s9] =	ssyncadd.s32 @!p0 $0xFFFFE000  }
0x7e: {  	s21 =	sshrl.u32 s20, $0x2;
	s8 =	sor.u32 s8, s10;
	_ =	swait.ge @!p0 [sflag:s9], $0x2000  }
0x7f: {  	s22 =	sshrl.u32 s8, $0x3;
	s26 =	sadd.s32 $0x1000000, s8;
	[sflag:s9] =	ssyncset.done @!p0 $0x0  }
0x80: {  	s24 =	sadd.s32 s3, s22;
	[sflag:s9] =	ssyncadd.s32 @!p0 $0xFFFFE000;
	s9 =	sadd.s32 $0x18000, s21  }
0x81: {  	[tilespmem:s9], [sflag:s23] =	stream.linear.gather [hbm4b:s24+s5], $0x2000, $0x38;
	[tilespmem:$0x1E000] =	vst v63  }
0x82: {  	s28 =	sor.u32 $0x2000, s20;
	s25 =	sadd.s32 s1, s22;
	s9 =	sshrl.u32 s26, $0x3  }
0x83: {  	[tilespmem:s20], [sflag:s7] =	stream.linear.gather [hbm4b:s25+s5], $0x2000, $0x38;
	[tilespmem:$0x1E000] =	vst v63  }
0x84: {  	s29 =	sadd.s32 $0x2000000, s8;
	p0 =	sne.s32 s18, $0x40;
	s9 =	sadd.s32 s1, s9  }
0x85: {  	[tilespmem:s28], [sflag:s7] =	stream.linear.gather [hbm4b:s9+s5], $0x2000, $0x38;
	[tilespmem:$0x1E000] =	vst v63  }
.Ltmp1:
0x86: {  	s8 =	sadd.s32 $0x3000000, s8;
	s9 =	sshrl.u32 s29, $0x3;
	(pc) =	sbr.rel @p0 .LBB2_2-.Ltmp1, $4  }
0x87: {  	s30 =	sor.u32 $0x4000, s20;
	s8 =	sshrl.u32 s8, $0x3;
	s9 =	sadd.s32 s1, s9  }
0x88: {  	[tilespmem:s30], [sflag:s7] =	stream.linear.gather [hbm4b:s9+s5], $0x2000, $0x38;
	[tilespmem:$0x1E000] =	vst v63  }
0x89: {  	s31 =	sor.u32 $0x6000, s20;
	s8 =	sadd.s32 s1, s8  }
0x8a: {  	[tilespmem:s31], [sflag:s7] =	stream.linear.gather [hbm4b:s8+s5], $0x2000, $0x38;
	[tilespmem:$0x1E000] =	vst v63  }
0x8b: {  	s7 =	simm.s32 $0x7  }
0x8c: {  	_ =	swait.ge [sflag:s7], $0x2000  }
0x8d: {  	[sflag:s7] =	ssyncset.done $0x0  }
0x8e: {  	[sflag:s7] =	ssyncadd.s32 $0xFFFFE000  }
0x8f: {  	_ =	swait.ge [sflag:s7], $0x2000  }
0x90: {  	[sflag:s7] =	ssyncset.done $0x0  }
0x91: {  	[sflag:s7] =	ssyncadd.s32 $0xFFFFE000  }
0x92: {  	_ =	swait.ge [sflag:s7], $0x2000  }
0x93: {  	[sflag:s7] =	ssyncset.done $0x0  }
0x94: {  	[sflag:s7] =	ssyncadd.s32 $0xFFFFE000  }
0x95: {  	_ =	swait.ge [sflag:s7], $0x2000  }
0x96: {  	[sflag:s7] =	ssyncset.done $0x0  }
0x97: {  	s28 =	simm.s32 $0x5;
	[sflag:s7] =	ssyncadd.s32 $0xFFFFE000  }
0x98: {  	_ =	swait.ge [sflag:s28], $0x2000  }
0x99: {  	[sflag:s28] =	ssyncset.done $0x0  }
0x9a: {  	s29 =	simm.s32 $0x2;
	[sflag:s28] =	ssyncadd.s32 $0xFFFFE000  }
0x9b: {  	_ =	swait.ge [sflag:s29], $0x2000  }
0x9c: {  	[sflag:s29] =	ssyncset.done $0x0  }
0x9d: {  	[sflag:s29] =	ssyncadd.s32 $0xFFFFE000  }
0x9e: {  	_ =	swait.ge [sflag:s29], $0x2000  }
0x9f: {  	[sflag:s29] =	ssyncset.done $0x0  }
0xa0: {  	[sflag:s29] =	ssyncadd.s32 $0xFFFFE000  }
0xa1: {  	_ =	swait.ge [sflag:s29], $0x2000  }
0xa2: {  	[sflag:s29] =	ssyncset.done $0x0  }
0xa3: {  	[sflag:s29] =	ssyncadd.s32 $0xFFFFE000  }
0xa4: {  	_ =	swait.ge [sflag:s29], $0x2000  }
0xa5: {  	[sflag:s29] =	ssyncset.done $0x0  }
0xa6: {  	s30 =	simm.s32 $0x6;
	[sflag:s29] =	ssyncadd.s32 $0xFFFFE000  }
0xa7: {  	_ =	swait.ge [sflag:s30], $0x2000  }
0xa8: {  	[sflag:s30] =	ssyncset.done $0x0  }
0xa9: {  	[sflag:s30] =	ssyncadd.s32 $0xFFFFE000  }
0xaa: {  	_ =	swait.ge [sflag:s2], $0x2000  }
0xab: {  	[sflag:s2] =	ssyncset.done $0x0  }
0xac: {  	[sflag:s2] =	ssyncadd.s32 $0xFFFFE000  }
0xad: {  	_ =	swait.ge [sflag:s2], $0x2000  }
0xae: {  	[sflag:s2] =	ssyncset.done $0x0  }
0xaf: {  	[sflag:s2] =	ssyncadd.s32 $0xFFFFE000  }
0xb0: {  	_ =	swait.ge [sflag:s2], $0x2000  }
0xb1: {  	[sflag:s2] =	ssyncset.done $0x0  }
0xb2: {  	[sflag:s2] =	ssyncadd.s32 $0xFFFFE000  }
0xb3: {  	_ =	swait.ge [sflag:s2], $0x2000  }
0xb4: {  	s0 =	sadd.s32 $0x1, s0;
	s31 =	rddreg [dreg:$0xf]  }
0xb5: {  	p0 =	sne.s32 s0, s31  }
.Ltmp2:
0xb6: {  	_ = 	snop;
	(pc) =	sbr.rel @p0 .LBB2_1-.Ltmp2, $3  }
0xb7: {  	_ =	sdelay $0x1  }
0xb8: {  	[sflag:s2] =	ssyncset.done $0x0  }
0xb9: {  	[sflag:s2] =	ssyncadd.s32 $0xFFFFE000  }
0xba: {  	_ =	sfence.sel $0x180000  }
0xbb: {  	[bflag:$0x0] =	sbarrier.arrive $0xFFFF  }
0xbc: {  	_ =	strace $0x90000047  }
0xbd: {  	s0 =	stileid.u32;
	[bflag:$0x2] =	sbarrier.arrive $0xFFFF  }
0xbe: {  	p0 =	sne.s32 s0, $0x0;
	s0 =	rddreg [dreg:$0x3]  }
0xbf: {  	s0 =	sadd.s32 @!p0 $0x100000, s0  }
0xc0: {  	[sflag:s0] =	ssyncadd.tile.s32 @!p0 $0x1;
	_ =	shalt  }
.Lfunc_end2:
_tile_overlayer_lowered:
.L_overlay_start_2:
0xc1: {  	(tag) =	ssettag $0x2  }
0xc2: {  	s0 =	rddreg [dreg:$0x0];
	s2 =	stileid.u32  }
0xc3: {  	s1 =	rddreg [dreg:$0x1];
	p0 =	sne.s32 s2, $0x0  }
0xc4: {  	s3 =	rddreg [dreg:$0x2];
	[bflag:$0x3] =	sbarrier.arrive $0xFFFF;
	s2 =	simm.s32 @!p0 $0x1C0A  }
0xc5: {  	[timem:s3], [sflag:s2] =	dma.local @!p0 [hbm:s0], s1  }
0xc6: {  	s0 =	simm.s32 @!p0 $0xA  }
0xc7: {  	_ =	swait.ge @!p0 [sflag:s0], s1  }
0xc8: {  	s1 =	ssub.s32 @!p0 $0x0, s1;
	[sflag:s0] =	ssyncset.done @!p0 $0x0  }
0xc9: {  	[sflag:s0] =	ssyncadd.s32 @!p0 s1  }
0xca: {  	[bflag:$0x3] =	sbarrier.arrive $0xFFFF  }
0xcb: {  	_ =	shalt  }

</sc_bundles>
